<compile_context>
chip_gen: v7x
topology: tpu7x:2x2x1
jax: 0.10.2.dev20260603
libtpu: 0.0.44.dev20260713+nightly
codegen_flags: <defaults>
</compile_context>

<pallas_src>
import functools

import jax
import jax.numpy as jnp
from jax import lax
from jax.experimental import pallas as pl
from jax.experimental.pallas import tpu as pltpu
from jax.experimental.pallas import tpu_sc as plsc

NUM_LABELS = 1000
B = 32
SEQ = 128
HID = 768
DMODEL = 1024
TYPE_DIM = DMODEL - HID
E_LABEL = 4000

NC = 2
NS = 16
NW = NC * NS
LANES = 16

_TCH = 32
_CW = DMODEL // NW
_SRC_ROWS = NW * _CW
_DCOL = 1008
_NEG = E_LABEL // LANES
_NSLICE = HID // LANES
_RSEG = 16


def _sc_body(ids_hbm, tok_hbm, edges_hbm,
             text_out, mt_out,
             tcidx_a, tcidx_b, buf_a, buf_b, acc, esrc, edst, mt_loc,
             sem_a, sem_b, sem_e):
    c = lax.axis_index("c")
    s = lax.axis_index("s")
    wid = s * NC + c
    zero16 = jnp.zeros((LANES,), jnp.float32)

    cp_src = pltpu.async_copy(edges_hbm.at[0], esrc, sem_e)
    cp_dst = pltpu.async_copy(edges_hbm.at[1], edst, sem_e)
    pltpu.sync_copy(ids_hbm.at[wid, pl.ds(0 * _TCH, _TCH)], tcidx_a)
    cp_a = pltpu.async_copy(tok_hbm.at[tcidx_a], buf_a, sem_a)
    pltpu.sync_copy(ids_hbm.at[wid, pl.ds(1 * _TCH, _TCH)], tcidx_b)
    cp_b = pltpu.async_copy(tok_hbm.at[tcidx_b], buf_b, sem_b)

    def _zrow(j, carry):
        for t in range(_DCOL // LANES):
            mt_loc[j, pl.ds(t * LANES, LANES)] = zero16
        return carry
    with jax.named_scope("ph_zero"):
        lax.fori_loop(0, _CW, _zrow, 0)
    with jax.named_scope("ph_ewait"):
        cp_src.wait()
        cp_dst.wait()

    widv = lax.broadcast(wid, (LANES,))
    five = jnp.full((LANES,), 5, jnp.int32)
    low5 = jnp.full((LANES,), _CW - 1, jnp.int32)
    ones16 = jnp.ones((LANES,), jnp.float32)

    def _egroup(g, carry):
        gof = g * LANES
        sv = esrc[pl.ds(gof, LANES)]
        dv = edst[pl.ds(gof, LANES)]
        sblk = lax.shift_right_logical(sv, five)
        slv = lax.bitwise_and(sv, low5)
        val = jnp.where(sblk == widv, ones16, zero16)
        plsc.addupdate_scatter(mt_loc, [slv, dv], val)
        return carry

    with jax.named_scope("ph_scan1"):
        lax.fori_loop(0, _NEG // 2, _egroup, 0)
    with jax.named_scope("ph_waitA"):
        cp_a.wait()
    pltpu.sync_copy(ids_hbm.at[wid, pl.ds(2 * _TCH, _TCH)], tcidx_a)
    cp_a2 = pltpu.async_copy(tok_hbm.at[tcidx_a], buf_a, sem_a, add=True)
    with jax.named_scope("ph_scan2"):
        lax.fori_loop(_NEG // 2, _NEG, _egroup, 0)
    with jax.named_scope("ph_waitB"):
        cp_b.wait()
    pltpu.sync_copy(ids_hbm.at[wid, pl.ds(3 * _TCH, _TCH)], tcidx_b)
    cp_b2 = pltpu.async_copy(tok_hbm.at[tcidx_b], buf_b, sem_b, add=True)

    cp_mt = pltpu.async_copy(mt_loc, mt_out.at[pl.ds(wid * _CW, _CW)], sem_e)
    with jax.named_scope("ph_waitA2B2"):
        cp_a2.wait()
        cp_b2.wait()

    inv = jnp.float32(1.0 / SEQ)
    _scope_red = jax.named_scope("ph_reduce")
    _scope_red.__enter__()
    for blk in range(_NSLICE // _RSEG):
        base = blk * _RSEG * LANES

        def _red(j, regs):
            return tuple(
                regs[t]
                + buf_a[j, pl.ds(base + t * LANES, LANES)]
                + buf_b[j, pl.ds(base + t * LANES, LANES)]
                for t in range(_RSEG))
        regs = lax.fori_loop(0, _TCH, _red, (zero16,) * _RSEG)
        for t in range(_RSEG):
            acc[pl.ds(base + t * LANES, LANES)] = regs[t] * inv
    _scope_red.__exit__(None, None, None)
    pltpu.sync_copy(acc, text_out.at[wid])
    with jax.named_scope("ph_mtwait"):
        cp_mt.wait()


@functools.cache
def _make_sc(interpret=False):
    return pl.kernel(
        _sc_body,
        out_type=(
            jax.ShapeDtypeStruct((B, HID), jnp.float32),
            jax.ShapeDtypeStruct((_SRC_ROWS, _DCOL), jnp.float32),
        ),
        compiler_params=pltpu.CompilerParams(needs_layout_passes=False),
        mesh=plsc.VectorSubcoreMesh(core_axis_name="c", subcore_axis_name="s",
                                    num_cores=NC, num_subcores=NS),
        scratch_types=[
            pltpu.VMEM((_TCH,), jnp.int32),
            pltpu.VMEM((_TCH,), jnp.int32),
            pltpu.VMEM((_TCH, HID), jnp.float32),
            pltpu.VMEM((_TCH, HID), jnp.float32),
            pltpu.VMEM((HID,), jnp.float32),
            pltpu.VMEM((E_LABEL,), jnp.int32),
            pltpu.VMEM((E_LABEL,), jnp.int32),
            pltpu.VMEM((_CW, _DCOL), jnp.float32),
            pltpu.SemaphoreType.DMA,
            pltpu.SemaphoreType.DMA,
            pltpu.SemaphoreType.DMA,
        ],
        interpret=interpret,
    )


def _tc_body(text_ref, mt_ref, lab_ref, nte_ref, w1_ref, b1_ref, w2_ref,
             b2_ref, out_ref):
    text = text_ref[...]
    nte1 = nte_ref[1, :]
    text_nodes = jnp.concatenate(
        [text, jnp.broadcast_to(nte1[None, :], (B, TYPE_DIM))], axis=1)
    s_text = jnp.sum(text_nodes, axis=0)
    lab = lab_ref[...]
    s_lab = jnp.sum(lab, axis=0)
    bf = jnp.bfloat16
    mt = mt_ref[...][:NUM_LABELS, :]
    seg_t = lax.dot_general(mt.astype(bf), lab.astype(bf),
                            (((0,), (0,)), ((), ())),
                            preferred_element_type=jnp.float32)
    seg = seg_t[:NUM_LABELS, :]
    w1b = w1_ref[...].astype(bf)
    w2b = w2_ref[...].astype(bf)
    b1v = b1_ref[...][None, :]
    b2v = b2_ref[...][None, :]
    h_lab = jnp.maximum(
        jnp.dot((seg + s_text[None, :]).astype(bf), w1b,
                preferred_element_type=jnp.float32) + b1v, 0.0)
    h_txt = jnp.maximum(
        jnp.dot((text_nodes + s_lab[None, :]).astype(bf), w1b,
                preferred_element_type=jnp.float32) + b1v, 0.0)
    out_ref[pl.ds(0, NUM_LABELS), :] = (
        jnp.dot(h_lab.astype(bf), w2b,
                preferred_element_type=jnp.float32) + b2v)
    out_ref[pl.ds(NUM_LABELS, B), :] = (
        jnp.dot(h_txt.astype(bf), w2b,
                preferred_element_type=jnp.float32) + b2v)


@functools.cache
def _make_tc(interpret=False):
    vspec = pl.BlockSpec(memory_space=pltpu.VMEM)
    return pl.pallas_call(
        _tc_body,
        in_specs=[vspec] * 8,
        out_specs=vspec,
        out_shape=jax.ShapeDtypeStruct((NUM_LABELS + B, NUM_LABELS),
                                       jnp.float32),
        interpret=interpret,
    )


def kernel(input_ids, token_table, node_type_embeddings, label_nodes,
           label_edges, W1, b1, W2, b2):
    text_emb, mt = _make_sc()(input_ids, token_table, label_edges)
    return _make_tc()(text_emb, mt, label_nodes, node_type_embeddings,
                      W1, b1, W2, b2)

# --- scband reference (transcript-rebuilt; emitter-appended) ---
"""Pipeline reference for scband-lmgnn-38843684225590 (READ-ONLY COPY).

The authoritative reference and input builder live on the scoring server;
editing this copy changes nothing except your own understanding.
"""

import jax, jax.numpy as jnp
import numpy as np

NUM_LABELS = 1000
B = 32
SEQ = 128
VOCAB = 30522
HID = 768
DMODEL = 1024
TYPE_DIM = DMODEL - HID
E_LABEL = 4000


def setup_inputs(seed: int = 0):
    key = jax.random.key(seed)
    ks = jax.random.split(key, 10)
    input_ids = jax.random.randint(ks[0], (B, SEQ), 0, VOCAB, dtype=jnp.int32)
    token_table = jax.random.normal(ks[1], (VOCAB, HID), dtype=jnp.float32) * 0.02
    node_type_embeddings = jax.random.normal(ks[2], (2, TYPE_DIM), dtype=jnp.float32)
    label_feats = jax.random.normal(ks[3], (NUM_LABELS, HID), dtype=jnp.float32)
    # label_nodes built as in __init__: cat(label_graph.nodes, type-0 embedding), frozen
    le = jnp.tile(node_type_embeddings[0][None, :], (NUM_LABELS, 1))
    label_nodes = jnp.concatenate([label_feats, le], axis=1)
    label_edges = jax.random.randint(ks[4], (2, E_LABEL), 0, NUM_LABELS, dtype=jnp.int32)
    W1 = jax.random.normal(ks[5], (DMODEL, DMODEL), dtype=jnp.float32) / np.sqrt(DMODEL)
    b1 = jnp.zeros((DMODEL,), dtype=jnp.float32)
    W2 = jax.random.normal(ks[6], (DMODEL, NUM_LABELS), dtype=jnp.float32) / np.sqrt(DMODEL)
    b2 = jnp.zeros((NUM_LABELS,), dtype=jnp.float32)
    return {"input_ids": input_ids, "token_table": token_table,
            "node_type_embeddings": node_type_embeddings,
            "label_nodes": label_nodes, "label_edges": label_edges,
            "W1": W1, "b1": b1, "W2": W2, "b2": b2}


def _build_edge_index(num_nodes, n_text, label_edges):
    # extra_edges = [[i, num_nodes+j] for i in range(num_nodes) for j in range(n_text)]
    li = jnp.arange(num_nodes, dtype=jnp.int32)
    tj = jnp.arange(n_text, dtype=jnp.int32) + num_nodes
    src = jnp.repeat(li, n_text)
    dst = jnp.tile(tj, num_nodes)
    extra = jnp.stack([src, dst], axis=0)
    extra_rev = jnp.stack([dst, src], axis=0)
    self_e = jnp.stack([tj, tj], axis=0)
    return jnp.concatenate([label_edges, extra, extra_rev, self_e], axis=1)


def reference(input_ids, token_table, node_type_embeddings, label_nodes, label_edges, W1, b1, W2, b2):
    # encoder_model stand-in: embedding lookup + mean pool over sequence -> [B, HID]
    tok = jnp.take(token_table, input_ids, axis=0)
    text_embeddings = jnp.mean(tok, axis=1)
    # append node-type-1 embedding to text nodes
    ne = jnp.tile(node_type_embeddings[1][None, :], (text_embeddings.shape[0], 1))
    text_nodes = jnp.concatenate([text_embeddings, ne], axis=1)
    x = jnp.concatenate([label_nodes, text_nodes], axis=0)
    edge_index = _build_edge_index(label_nodes.shape[0], text_nodes.shape[0], label_edges)
    # classifier_model stand-in: one sum-aggregation GCN layer + linear head
    src, dst = edge_index[0], edge_index[1]
    msgs = jnp.take(x, src, axis=0)
    agg = jax.ops.segment_sum(msgs, dst, num_segments=x.shape[0])
    h = jax.nn.relu(agg @ W1 + b1)
    logits = h @ W2 + b2
    return logits

if __name__ == "__main__":
    import jax
    _d = setup_inputs()
    print(jax.jit(kernel)(*tuple(_d.values())))

</pallas_src>

<mosaic_0001>
#map = affine_map<(d0, d1) -> (0, 0)>
module attributes {stable_mosaic.version = 14 : i64} {
  func.func @_sc_body(%arg0: i32, %arg1: i32, %arg2: memref<32x128xi32, #tpu.memory_space<hbm>>, %arg3: memref<30522x768xf32, #tpu.memory_space<hbm>>, %arg4: memref<2x4000xi32, #tpu.memory_space<hbm>>, %arg5: memref<32x768xf32, #tpu.memory_space<hbm>>, %arg6: memref<1024x1008xf32, #tpu.memory_space<hbm>>, %arg7: memref<32xi32, #tpu.memory_space<vmem>>, %arg8: memref<32xi32, #tpu.memory_space<vmem>>, %arg9: memref<32x768xf32, #tpu.memory_space<vmem>>, %arg10: memref<32x768xf32, #tpu.memory_space<vmem>>, %arg11: memref<768xf32, #tpu.memory_space<vmem>>, %arg12: memref<4000xi32, #tpu.memory_space<vmem>>, %arg13: memref<4000xi32, #tpu.memory_space<vmem>>, %arg14: memref<32x1008xf32, #tpu.memory_space<vmem>>, %arg15: memref<!tpu.dma_semaphore, #tpu.memory_space<semaphore_mem>>, %arg16: memref<!tpu.dma_semaphore, #tpu.memory_space<semaphore_mem>>, %arg17: memref<!tpu.dma_semaphore, #tpu.memory_space<semaphore_mem>>) attributes {dimension_semantics = [#tpu.dimension_semantics<core_parallel>, #tpu.dimension_semantics<subcore_parallel>], iteration_bounds = array<i64: 2, 16>, scalar_prefetch = 0 : i64, scratch_operands = 11 : i64, tpu.core_type = #tpu.core_type<sc_vector_subcore>, window_params = [{transform_indices = #map}, {transform_indices = #map}, {transform_indices = #map}, {transform_indices = #map}, {transform_indices = #map}]} {
    %mul3A = arith.constant 2 : i32
    %mul3A_0 = arith.muli %arg1, %mul3A : i32
    %add3A = arith.addi %mul3A_0, %arg0 : i32
    %broadcast_in_dim3A = arith.constant 0.000000e+00 : f32
    %broadcast_in_dim3A_1 = vector.broadcast %broadcast_in_dim3A : f32 to vector<16xf32>
    %dma_start3A = arith.constant 0 : i32
    %dma_start3A_2 = arith.constant 0 : i32
    %dma_start3A_3 = tpu.memref_slice %arg4[%dma_start3A, %dma_start3A_2] : memref<2x4000xi32, #tpu.memory_space<hbm>> -> memref<1x4000xi32, #tpu.memory_space<hbm>>
    %dma_start3A_4 = tpu.memref_squeeze %dma_start3A_3 : memref<1x4000xi32, #tpu.memory_space<hbm>> -> memref<4000xi32, #tpu.memory_space<hbm>>
    %dma_start3A_5 = arith.constant 0 : i32
    %dma_start3A_6 = tpu.memref_slice %arg4[%dma_start3A, %dma_start3A_5] : memref<2x4000xi32, #tpu.memory_space<hbm>> -> memref<1x4000xi32, #tpu.memory_space<hbm>>
    %dma_start3A_7 = tpu.memref_squeeze %dma_start3A_6 : memref<1x4000xi32, #tpu.memory_space<hbm>> -> memref<4000xi32, #tpu.memory_space<hbm>>
    tpu.enqueue_dma source(%dma_start3A_7 : memref<4000xi32, #tpu.memory_space<hbm>>) target(%arg12 : memref<4000xi32, #tpu.memory_space<vmem>>) target_semaphore(%arg17 : memref<!tpu.dma_semaphore, #tpu.memory_space<semaphore_mem>>)
    %dma_start3A_8 = arith.constant 1 : i32
    %dma_start3A_9 = arith.constant 0 : i32
    %dma_start3A_10 = tpu.memref_slice %arg4[%dma_start3A_8, %dma_start3A_9] : memref<2x4000xi32, #tpu.memory_space<hbm>> -> memref<1x4000xi32, #tpu.memory_space<hbm>>
    %dma_start3A_11 = tpu.memref_squeeze %dma_start3A_10 : memref<1x4000xi32, #tpu.memory_space<hbm>> -> memref<4000xi32, #tpu.memory_space<hbm>>
    %dma_start3A_12 = arith.constant 0 : i32
    %dma_start3A_13 = tpu.memref_slice %arg4[%dma_start3A_8, %dma_start3A_12] : memref<2x4000xi32, #tpu.memory_space<hbm>> -> memref<1x4000xi32, #tpu.memory_space<hbm>>
    %dma_start3A_14 = tpu.memref_squeeze %dma_start3A_13 : memref<1x4000xi32, #tpu.memory_space<hbm>> -> memref<4000xi32, #tpu.memory_space<hbm>>
    tpu.enqueue_dma source(%dma_start3A_14 : memref<4000xi32, #tpu.memory_space<hbm>>) target(%arg13 : memref<4000xi32, #tpu.memory_space<vmem>>) target_semaphore(%arg17 : memref<!tpu.dma_semaphore, #tpu.memory_space<semaphore_mem>>)
    "tpu.region"() ({
      %run_scoped3A = tpu.sem_alloc : memref<!tpu.dma_semaphore, #tpu.memory_space<semaphore_mem>>
      %dma_start3A_343 = arith.constant 0 : i32
      %dma_start3A_344 = tpu.memref_slice %arg2[%add3A, %dma_start3A_343] : memref<32x128xi32, #tpu.memory_space<hbm>> -> memref<1x32xi32, #tpu.memory_space<hbm>>
      %dma_start3A_345 = tpu.memref_squeeze %dma_start3A_344 : memref<1x32xi32, #tpu.memory_space<hbm>> -> memref<32xi32, #tpu.memory_space<hbm>>
      %dma_start3A_346 = arith.constant 0 : i32
      %dma_start3A_347 = tpu.memref_slice %arg2[%add3A, %dma_start3A_346] : memref<32x128xi32, #tpu.memory_space<hbm>> -> memref<1x32xi32, #tpu.memory_space<hbm>>
      %dma_start3A_348 = tpu.memref_squeeze %dma_start3A_347 : memref<1x32xi32, #tpu.memory_space<hbm>> -> memref<32xi32, #tpu.memory_space<hbm>>
      tpu.enqueue_dma source(%dma_start3A_348 : memref<32xi32, #tpu.memory_space<hbm>>) target(%arg7 : memref<32xi32, #tpu.memory_space<vmem>>) target_semaphore(%run_scoped3A : memref<!tpu.dma_semaphore, #tpu.memory_space<semaphore_mem>>)
      %dma_wait3A_349 = arith.constant 0 : i32
      %dma_wait3A_350 = tpu.memref_slice %arg2[%add3A, %dma_wait3A_349] : memref<32x128xi32, #tpu.memory_space<hbm>> -> memref<1x32xi32, #tpu.memory_space<hbm>>
      %dma_wait3A_351 = tpu.memref_squeeze %dma_wait3A_350 : memref<1x32xi32, #tpu.memory_space<hbm>> -> memref<32xi32, #tpu.memory_space<hbm>>
      %dma_wait3A_352 = arith.constant 0 : i32
      %dma_wait3A_353 = tpu.memref_slice %arg2[%add3A, %dma_wait3A_352] : memref<32x128xi32, #tpu.memory_space<hbm>> -> memref<1x32xi32, #tpu.memory_space<hbm>>
      %dma_wait3A_354 = tpu.memref_squeeze %dma_wait3A_353 : memref<1x32xi32, #tpu.memory_space<hbm>> -> memref<32xi32, #tpu.memory_space<hbm>>
      tpu.wait_dma2 semaphore(%run_scoped3A : memref<!tpu.dma_semaphore, #tpu.memory_space<semaphore_mem>>) src(%dma_wait3A_354 : memref<32xi32, #tpu.memory_space<hbm>>) dst(%arg7 : memref<32xi32, #tpu.memory_space<vmem>>)
      tpu.yield
    }) : () -> ()
    %dma_start3A_15 = arith.constant 0 : i32
    %dma_start3A_16 = arith.constant 0 : i32
    %dma_start3A_17 = tpu.memref_slice %arg3[%dma_start3A_15, %dma_start3A_16] : memref<30522x768xf32, #tpu.memory_space<hbm>> -> memref<30522x768xf32, #tpu.memory_space<hbm>>
    tpu.enqueue_indirect_dma source(%dma_start3A_17 : memref<30522x768xf32, #tpu.memory_space<hbm>>) target(%arg9 : memref<32x768xf32, #tpu.memory_space<vmem>>) offsets(%arg7 : memref<32xi32, #tpu.memory_space<vmem>>) semaphore(%arg15 : memref<!tpu.dma_semaphore, #tpu.memory_space<semaphore_mem>>)
    "tpu.region"() ({
      %run_scoped3A = tpu.sem_alloc : memref<!tpu.dma_semaphore, #tpu.memory_space<semaphore_mem>>
      %dma_start3A_343 = arith.constant 32 : i32
      %dma_start3A_344 = tpu.memref_slice %arg2[%add3A, %dma_start3A_343] : memref<32x128xi32, #tpu.memory_space<hbm>> -> memref<1x32xi32, #tpu.memory_space<hbm>>
      %dma_start3A_345 = tpu.memref_squeeze %dma_start3A_344 : memref<1x32xi32, #tpu.memory_space<hbm>> -> memref<32xi32, #tpu.memory_space<hbm>>
      %dma_start3A_346 = arith.constant 32 : i32
      %dma_start3A_347 = tpu.memref_slice %arg2[%add3A, %dma_start3A_346] : memref<32x128xi32, #tpu.memory_space<hbm>> -> memref<1x32xi32, #tpu.memory_space<hbm>>
      %dma_start3A_348 = tpu.memref_squeeze %dma_start3A_347 : memref<1x32xi32, #tpu.memory_space<hbm>> -> memref<32xi32, #tpu.memory_space<hbm>>
      tpu.enqueue_dma source(%dma_start3A_348 : memref<32xi32, #tpu.memory_space<hbm>>) target(%arg8 : memref<32xi32, #tpu.memory_space<vmem>>) target_semaphore(%run_scoped3A : memref<!tpu.dma_semaphore, #tpu.memory_space<semaphore_mem>>)
      %dma_wait3A_349 = arith.constant 32 : i32
      %dma_wait3A_350 = tpu.memref_slice %arg2[%add3A, %dma_wait3A_349] : memref<32x128xi32, #tpu.memory_space<hbm>> -> memref<1x32xi32, #tpu.memory_space<hbm>>
      %dma_wait3A_351 = tpu.memref_squeeze %dma_wait3A_350 : memref<1x32xi32, #tpu.memory_space<hbm>> -> memref<32xi32, #tpu.memory_space<hbm>>
      %dma_wait3A_352 = arith.constant 32 : i32
      %dma_wait3A_353 = tpu.memref_slice %arg2[%add3A, %dma_wait3A_352] : memref<32x128xi32, #tpu.memory_space<hbm>> -> memref<1x32xi32, #tpu.memory_space<hbm>>
      %dma_wait3A_354 = tpu.memref_squeeze %dma_wait3A_353 : memref<1x32xi32, #tpu.memory_space<hbm>> -> memref<32xi32, #tpu.memory_space<hbm>>
      tpu.wait_dma2 semaphore(%run_scoped3A : memref<!tpu.dma_semaphore, #tpu.memory_space<semaphore_mem>>) src(%dma_wait3A_354 : memref<32xi32, #tpu.memory_space<hbm>>) dst(%arg8 : memref<32xi32, #tpu.memory_space<vmem>>)
      tpu.yield
    }) : () -> ()
    %dma_start3A_18 = arith.constant 0 : i32
    %dma_start3A_19 = arith.constant 0 : i32
    %dma_start3A_20 = tpu.memref_slice %arg3[%dma_start3A_18, %dma_start3A_19] : memref<30522x768xf32, #tpu.memory_space<hbm>> -> memref<30522x768xf32, #tpu.memory_space<hbm>>
    tpu.enqueue_indirect_dma source(%dma_start3A_20 : memref<30522x768xf32, #tpu.memory_space<hbm>>) target(%arg10 : memref<32x768xf32, #tpu.memory_space<vmem>>) offsets(%arg8 : memref<32xi32, #tpu.memory_space<vmem>>) semaphore(%arg16 : memref<!tpu.dma_semaphore, #tpu.memory_space<semaphore_mem>>)
    "tpu.trace_start"() <{level = 10 : i32, message = "ph_zero"}> : () -> ()
    %scan3A = arith.constant 0 : i32
    %scan3A_21 = arith.constant 0 : i32
    %scan3A_22 = arith.constant 32 : i32
    %scan3A_23 = arith.addi %scan3A_21, %scan3A_22 : i32
    %scan3A_24 = arith.constant 1 : i32
    scf.for %scan3A_343 = %scan3A_21 to %scan3A_23 step %scan3A_24  : i32 {
      %swap3A_344 = arith.index_cast %scan3A_343 : i32 to index
      %swap3A_345 = arith.constant 0 : index
      %swap3A_346 = tpu.vector_load %arg14[%swap3A_344, %swap3A_345] {strides = array<i32>} : memref<32x1008xf32, #tpu.memory_space<vmem>>, vector<16xf32>,
      tpu.vector_store %arg14[%swap3A_344, %swap3A_345], %broadcast_in_dim3A_1 {strides = array<i32>} : memref<32x1008xf32, #tpu.memory_space<vmem>>, vector<16xf32>,
      %swap3A_347 = arith.index_cast %scan3A_343 : i32 to index
      %swap3A_348 = arith.constant 16 : index
      %swap3A_349 = tpu.vector_load %arg14[%swap3A_347, %swap3A_348] {strides = array<i32>} : memref<32x1008xf32, #tpu.memory_space<vmem>>, vector<16xf32>,
      tpu.vector_store %arg14[%swap3A_347, %swap3A_348], %broadcast_in_dim3A_1 {strides = array<i32>} : memref<32x1008xf32, #tpu.memory_space<vmem>>, vector<16xf32>,
      %swap3A_350 = arith.index_cast %scan3A_343 : i32 to index
      %swap3A_351 = arith.constant 32 : index
      %swap3A_352 = tpu.vector_load %arg14[%swap3A_350, %swap3A_351] {strides = array<i32>} : memref<32x1008xf32, #tpu.memory_space<vmem>>, vector<16xf32>,
      tpu.vector_store %arg14[%swap3A_350, %swap3A_351], %broadcast_in_dim3A_1 {strides = array<i32>} : memref<32x1008xf32, #tpu.memory_space<vmem>>, vector<16xf32>,
      %swap3A_353 = arith.index_cast %scan3A_343 : i32 to index
      %swap3A_354 = arith.constant 48 : index
      %swap3A_355 = tpu.vector_load %arg14[%swap3A_353, %swap3A_354] {strides = array<i32>} : memref<32x1008xf32, #tpu.memory_space<vmem>>, vector<16xf32>,
      tpu.vector_store %arg14[%swap3A_353, %swap3A_354], %broadcast_in_dim3A_1 {strides = array<i32>} : memref<32x1008xf32, #tpu.memory_space<vmem>>, vector<16xf32>,
      %swap3A_356 = arith.index_cast %scan3A_343 : i32 to index
      %swap3A_357 = arith.constant 64 : index
      %swap3A_358 = tpu.vector_load %arg14[%swap3A_356, %swap3A_357] {strides = array<i32>} : memref<32x1008xf32, #tpu.memory_space<vmem>>, vector<16xf32>,
      tpu.vector_store %arg14[%swap3A_356, %swap3A_357], %broadcast_in_dim3A_1 {strides = array<i32>} : memref<32x1008xf32, #tpu.memory_space<vmem>>, vector<16xf32>,
      %swap3A_359 = arith.index_cast %scan3A_343 : i32 to index
      %swap3A_360 = arith.constant 80 : index
      %swap3A_361 = tpu.vector_load %arg14[%swap3A_359, %swap3A_360] {strides = array<i32>} : memref<32x1008xf32, #tpu.memory_space<vmem>>, vector<16xf32>,
      tpu.vector_store %arg14[%swap3A_359, %swap3A_360], %broadcast_in_dim3A_1 {strides = array<i32>} : memref<32x1008xf32, #tpu.memory_space<vmem>>, vector<16xf32>,
      %swap3A_362 = arith.index_cast %scan3A_343 : i32 to index
      %swap3A_363 = arith.constant 96 : index
      %swap3A_364 = tpu.vector_load %arg14[%swap3A_362, %swap3A_363] {strides = array<i32>} : memref<32x1008xf32, #tpu.memory_space<vmem>>, vector<16xf32>,
      tpu.vector_store %arg14[%swap3A_362, %swap3A_363], %broadcast_in_dim3A_1 {strides = array<i32>} : memref<32x1008xf32, #tpu.memory_space<vmem>>, vector<16xf32>,
      %swap3A_365 = arith.index_cast %scan3A_343 : i32 to index
      %swap3A_366 = arith.constant 112 : index
      %swap3A_367 = tpu.vector_load %arg14[%swap3A_365, %swap3A_366] {strides = array<i32>} : memref<32x1008xf32, #tpu.memory_space<vmem>>, vector<16xf32>,
      tpu.vector_store %arg14[%swap3A_365, %swap3A_366], %broadcast_in_dim3A_1 {strides = array<i32>} : memref<32x1008xf32, #tpu.memory_space<vmem>>, vector<16xf32>,
      %swap3A_368 = arith.index_cast %scan3A_343 : i32 to index
      %swap3A_369 = arith.constant 128 : index
      %swap3A_370 = tpu.vector_load %arg14[%swap3A_368, %swap3A_369] {strides = array<i32>} : memref<32x1008xf32, #tpu.memory_space<vmem>>, vector<16xf32>,
      tpu.vector_store %arg14[%swap3A_368, %swap3A_369], %broadcast_in_dim3A_1 {strides = array<i32>} : memref<32x1008xf32, #tpu.memory_space<vmem>>, vector<16xf32>,
      %swap3A_371 = arith.index_cast %scan3A_343 : i32 to index
      %swap3A_372 = arith.constant 144 : index
      %swap3A_373 = tpu.vector_load %arg14[%swap3A_371, %swap3A_372] {strides = array<i32>} : memref<32x1008xf32, #tpu.memory_space<vmem>>, vector<16xf32>,
      tpu.vector_store %arg14[%swap3A_371, %swap3A_372], %broadcast_in_dim3A_1 {strides = array<i32>} : memref<32x1008xf32, #tpu.memory_space<vmem>>, vector<16xf32>,
      %swap3A_374 = arith.index_cast %scan3A_343 : i32 to index
      %swap3A_375 = arith.constant 160 : index
      %swap3A_376 = tpu.vector_load %arg14[%swap3A_374, %swap3A_375] {strides = array<i32>} : memref<32x1008xf32, #tpu.memory_space<vmem>>, vector<16xf32>,
      tpu.vector_store %arg14[%swap3A_374, %swap3A_375], %broadcast_in_dim3A_1 {strides = array<i32>} : memref<32x1008xf32, #tpu.memory_space<vmem>>, vector<16xf32>,
      %swap3A_377 = arith.index_cast %scan3A_343 : i32 to index
      %swap3A_378 = arith.constant 176 : index
      %swap3A_379 = tpu.vector_load %arg14[%swap3A_377, %swap3A_378] {strides = array<i32>} : memref<32x1008xf32, #tpu.memory_space<vmem>>, vector<16xf32>,
      tpu.vector_store %arg14[%swap3A_377, %swap3A_378], %broadcast_in_dim3A_1 {strides = array<i32>} : memref<32x1008xf32, #tpu.memory_space<vmem>>, vector<16xf32>,
      %swap3A_380 = arith.index_cast %scan3A_343 : i32 to index
      %swap3A_381 = arith.constant 192 : index
      %swap3A_382 = tpu.vector_load %arg14[%swap3A_380, %swap3A_381] {strides = array<i32>} : memref<32x1008xf32, #tpu.memory_space<vmem>>, vector<16xf32>,
      tpu.vector_store %arg14[%swap3A_380, %swap3A_381], %broadcast_in_dim3A_1 {strides = array<i32>} : memref<32x1008xf32, #tpu.memory_space<vmem>>, vector<16xf32>,
      %swap3A_383 = arith.index_cast %scan3A_343 : i32 to index
      %swap3A_384 = arith.constant 208 : index
      %swap3A_385 = tpu.vector_load %arg14[%swap3A_383, %swap3A_384] {strides = array<i32>} : memref<32x1008xf32, #tpu.memory_space<vmem>>, vector<16xf32>,
      tpu.vector_store %arg14[%swap3A_383, %swap3A_384], %broadcast_in_dim3A_1 {strides = array<i32>} : memref<32x1008xf32, #tpu.memory_space<vmem>>, vector<16xf32>,
      %swap3A_386 = arith.index_cast %scan3A_343 : i32 to index
      %swap3A_387 = arith.constant 224 : index
      %swap3A_388 = tpu.vector_load %arg14[%swap3A_386, %swap3A_387] {strides = array<i32>} : memref<32x1008xf32, #tpu.memory_space<vmem>>, vector<16xf32>,
      tpu.vector_store %arg14[%swap3A_386, %swap3A_387], %broadcast_in_dim3A_1 {strides = array<i32>} : memref<32x1008xf32, #tpu.memory_space<vmem>>, vector<16xf32>,
      %swap3A_389 = arith.index_cast %scan3A_343 : i32 to index
      %swap3A_390 = arith.constant 240 : index
      %swap3A_391 = tpu.vector_load %arg14[%swap3A_389, %swap3A_390] {strides = array<i32>} : memref<32x1008xf32, #tpu.memory_space<vmem>>, vector<16xf32>,
      tpu.vector_store %arg14[%swap3A_389, %swap3A_390], %broadcast_in_dim3A_1 {strides = array<i32>} : memref<32x1008xf32, #tpu.memory_space<vmem>>, vector<16xf32>,
      %swap3A_392 = arith.index_cast %scan3A_343 : i32 to index
      %swap3A_393 = arith.constant 256 : index
      %swap3A_394 = tpu.vector_load %arg14[%swap3A_392, %swap3A_393] {strides = array<i32>} : memref<32x1008xf32, #tpu.memory_space<vmem>>, vector<16xf32>,
      tpu.vector_store %arg14[%swap3A_392, %swap3A_393], %broadcast_in_dim3A_1 {strides = array<i32>} : memref<32x1008xf32, #tpu.memory_space<vmem>>, vector<16xf32>,
      %swap3A_395 = arith.index_cast %scan3A_343 : i32 to index
      %swap3A_396 = arith.constant 272 : index
      %swap3A_397 = tpu.vector_load %arg14[%swap3A_395, %swap3A_396] {strides = array<i32>} : memref<32x1008xf32, #tpu.memory_space<vmem>>, vector<16xf32>,
      tpu.vector_store %arg14[%swap3A_395, %swap3A_396], %broadcast_in_dim3A_1 {strides = array<i32>} : memref<32x1008xf32, #tpu.memory_space<vmem>>, vector<16xf32>,
      %swap3A_398 = arith.index_cast %scan3A_343 : i32 to index
      %swap3A_399 = arith.constant 288 : index
      %swap3A_400 = tpu.vector_load %arg14[%swap3A_398, %swap3A_399] {strides = array<i32>} : memref<32x1008xf32, #tpu.memory_space<vmem>>, vector<16xf32>,
      tpu.vector_store %arg14[%swap3A_398, %swap3A_399], %broadcast_in_dim3A_1 {strides = array<i32>} : memref<32x1008xf32, #tpu.memory_space<vmem>>, vector<16xf32>,
      %swap3A_401 = arith.index_cast %scan3A_343 : i32 to index
      %swap3A_402 = arith.constant 304 : index
      %swap3A_403 = tpu.vector_load %arg14[%swap3A_401, %swap3A_402] {strides = array<i32>} : memref<32x1008xf32, #tpu.memory_space<vmem>>, vector<16xf32>,
      tpu.vector_store %arg14[%swap3A_401, %swap3A_402], %broadcast_in_dim3A_1 {strides = array<i32>} : memref<32x1008xf32, #tpu.memory_space<vmem>>, vector<16xf32>,
      %swap3A_404 = arith.index_cast %scan3A_343 : i32 to index
      %swap3A_405 = arith.constant 320 : index
      %swap3A_406 = tpu.vector_load %arg14[%swap3A_404, %swap3A_405] {strides = array<i32>} : memref<32x1008xf32, #tpu.memory_space<vmem>>, vector<16xf32>,
      tpu.vector_store %arg14[%swap3A_404, %swap3A_405], %broadcast_in_dim3A_1 {strides = array<i32>} : memref<32x1008xf32, #tpu.memory_space<vmem>>, vector<16xf32>,
      %swap3A_407 = arith.index_cast %scan3A_343 : i32 to index
      %swap3A_408 = arith.constant 336 : index
      %swap3A_409 = tpu.vector_load %arg14[%swap3A_407, %swap3A_408] {strides = array<i32>} : memref<32x1008xf32, #tpu.memory_space<vmem>>, vector<16xf32>,
      tpu.vector_store %arg14[%swap3A_407, %swap3A_408], %broadcast_in_dim3A_1 {strides = array<i32>} : memref<32x1008xf32, #tpu.memory_space<vmem>>, vector<16xf32>,
      %swap3A_410 = arith.index_cast %scan3A_343 : i32 to index
      %swap3A_411 = arith.constant 352 : index
      %swap3A_412 = tpu.vector_load %arg14[%swap3A_410, %swap3A_411] {strides = array<i32>} : memref<32x1008xf32, #tpu.memory_space<vmem>>, vector<16xf32>,
      tpu.vector_store %arg14[%swap3A_410, %swap3A_411], %broadcast_in_dim3A_1 {strides = array<i32>} : memref<32x1008xf32, #tpu.memory_space<vmem>>, vector<16xf32>,
      %swap3A_413 = arith.index_cast %scan3A_343 : i32 to index
      %swap3A_414 = arith.constant 368 : index
      %swap3A_415 = tpu.vector_load %arg14[%swap3A_413, %swap3A_414] {strides = array<i32>} : memref<32x1008xf32, #tpu.memory_space<vmem>>, vector<16xf32>,
      tpu.vector_store %arg14[%swap3A_413, %swap3A_414], %broadcast_in_dim3A_1 {strides = array<i32>} : memref<32x1008xf32, #tpu.memory_space<vmem>>, vector<16xf32>,
      %swap3A_416 = arith.index_cast %scan3A_343 : i32 to index
      %swap3A_417 = arith.constant 384 : index
      %swap3A_418 = tpu.vector_load %arg14[%swap3A_416, %swap3A_417] {strides = array<i32>} : memref<32x1008xf32, #tpu.memory_space<vmem>>, vector<16xf32>,
      tpu.vector_store %arg14[%swap3A_416, %swap3A_417], %broadcast_in_dim3A_1 {strides = array<i32>} : memref<32x1008xf32, #tpu.memory_space<vmem>>, vector<16xf32>,
      %swap3A_419 = arith.index_cast %scan3A_343 : i32 to index
      %swap3A_420 = arith.constant 400 : index
      %swap3A_421 = tpu.vector_load %arg14[%swap3A_419, %swap3A_420] {strides = array<i32>} : memref<32x1008xf32, #tpu.memory_space<vmem>>, vector<16xf32>,
      tpu.vector_store %arg14[%swap3A_419, %swap3A_420], %broadcast_in_dim3A_1 {strides = array<i32>} : memref<32x1008xf32, #tpu.memory_space<vmem>>, vector<16xf32>,
      %swap3A_422 = arith.index_cast %scan3A_343 : i32 to index
      %swap3A_423 = arith.constant 416 : index
      %swap3A_424 = tpu.vector_load %arg14[%swap3A_422, %swap3A_423] {strides = array<i32>} : memref<32x1008xf32, #tpu.memory_space<vmem>>, vector<16xf32>,
      tpu.vector_store %arg14[%swap3A_422, %swap3A_423], %broadcast_in_dim3A_1 {strides = array<i32>} : memref<32x1008xf32, #tpu.memory_space<vmem>>, vector<16xf32>,
      %swap3A_425 = arith.index_cast %scan3A_343 : i32 to index
      %swap3A_426 = arith.constant 432 : index
      %swap3A_427 = tpu.vector_load %arg14[%swap3A_425, %swap3A_426] {strides = array<i32>} : memref<32x1008xf32, #tpu.memory_space<vmem>>, vector<16xf32>,
      tpu.vector_store %arg14[%swap3A_425, %swap3A_426], %broadcast_in_dim3A_1 {strides = array<i32>} : memref<32x1008xf32, #tpu.memory_space<vmem>>, vector<16xf32>,
      %swap3A_428 = arith.index_cast %scan3A_343 : i32 to index
      %swap3A_429 = arith.constant 448 : index
      %swap3A_430 = tpu.vector_load %arg14[%swap3A_428, %swap3A_429] {strides = array<i32>} : memref<32x1008xf32, #tpu.memory_space<vmem>>, vector<16xf32>,
      tpu.vector_store %arg14[%swap3A_428, %swap3A_429], %broadcast_in_dim3A_1 {strides = array<i32>} : memref<32x1008xf32, #tpu.memory_space<vmem>>, vector<16xf32>,
      %swap3A_431 = arith.index_cast %scan3A_343 : i32 to index
      %swap3A_432 = arith.constant 464 : index
      %swap3A_433 = tpu.vector_load %arg14[%swap3A_431, %swap3A_432] {strides = array<i32>} : memref<32x1008xf32, #tpu.memory_space<vmem>>, vector<16xf32>,
      tpu.vector_store %arg14[%swap3A_431, %swap3A_432], %broadcast_in_dim3A_1 {strides = array<i32>} : memref<32x1008xf32, #tpu.memory_space<vmem>>, vector<16xf32>,
      %swap3A_434 = arith.index_cast %scan3A_343 : i32 to index
      %swap3A_435 = arith.constant 480 : index
      %swap3A_436 = tpu.vector_load %arg14[%swap3A_434, %swap3A_435] {strides = array<i32>} : memref<32x1008xf32, #tpu.memory_space<vmem>>, vector<16xf32>,
      tpu.vector_store %arg14[%swap3A_434, %swap3A_435], %broadcast_in_dim3A_1 {strides = array<i32>} : memref<32x1008xf32, #tpu.memory_space<vmem>>, vector<16xf32>,
      %swap3A_437 = arith.index_cast %scan3A_343 : i32 to index
      %swap3A_438 = arith.constant 496 : index
      %swap3A_439 = tpu.vector_load %arg14[%swap3A_437, %swap3A_438] {strides = array<i32>} : memref<32x1008xf32, #tpu.memory_space<vmem>>, vector<16xf32>,
      tpu.vector_store %arg14[%swap3A_437, %swap3A_438], %broadcast_in_dim3A_1 {strides = array<i32>} : memref<32x1008xf32, #tpu.memory_space<vmem>>, vector<16xf32>,
      %swap3A_440 = arith.index_cast %scan3A_343 : i32 to index
      %swap3A_441 = arith.constant 512 : index
      %swap3A_442 = tpu.vector_load %arg14[%swap3A_440, %swap3A_441] {strides = array<i32>} : memref<32x1008xf32, #tpu.memory_space<vmem>>, vector<16xf32>,
      tpu.vector_store %arg14[%swap3A_440, %swap3A_441], %broadcast_in_dim3A_1 {strides = array<i32>} : memref<32x1008xf32, #tpu.memory_space<vmem>>, vector<16xf32>,
      %swap3A_443 = arith.index_cast %scan3A_343 : i32 to index
      %swap3A_444 = arith.constant 528 : index
      %swap3A_445 = tpu.vector_load %arg14[%swap3A_443, %swap3A_444] {strides = array<i32>} : memref<32x1008xf32, #tpu.memory_space<vmem>>, vector<16xf32>,
      tpu.vector_store %arg14[%swap3A_443, %swap3A_444], %broadcast_in_dim3A_1 {strides = array<i32>} : memref<32x1008xf32, #tpu.memory_space<vmem>>, vector<16xf32>,
      %swap3A_446 = arith.index_cast %scan3A_343 : i32 to index
      %swap3A_447 = arith.constant 544 : index
      %swap3A_448 = tpu.vector_load %arg14[%swap3A_446, %swap3A_447] {strides = array<i32>} : memref<32x1008xf32, #tpu.memory_space<vmem>>, vector<16xf32>,
      tpu.vector_store %arg14[%swap3A_446, %swap3A_447], %broadcast_in_dim3A_1 {strides = array<i32>} : memref<32x1008xf32, #tpu.memory_space<vmem>>, vector<16xf32>,
      %swap3A_449 = arith.index_cast %scan3A_343 : i32 to index
      %swap3A_450 = arith.constant 560 : index
      %swap3A_451 = tpu.vector_load %arg14[%swap3A_449, %swap3A_450] {strides = array<i32>} : memref<32x1008xf32, #tpu.memory_space<vmem>>, vector<16xf32>,
      tpu.vector_store %arg14[%swap3A_449, %swap3A_450], %broadcast_in_dim3A_1 {strides = array<i32>} : memref<32x1008xf32, #tpu.memory_space<vmem>>, vector<16xf32>,
      %swap3A_452 = arith.index_cast %scan3A_343 : i32 to index
      %swap3A_453 = arith.constant 576 : index
      %swap3A_454 = tpu.vector_load %arg14[%swap3A_452, %swap3A_453] {strides = array<i32>} : memref<32x1008xf32, #tpu.memory_space<vmem>>, vector<16xf32>,
      tpu.vector_store %arg14[%swap3A_452, %swap3A_453], %broadcast_in_dim3A_1 {strides = array<i32>} : memref<32x1008xf32, #tpu.memory_space<vmem>>, vector<16xf32>,
      %swap3A_455 = arith.index_cast %scan3A_343 : i32 to index
      %swap3A_456 = arith.constant 592 : index
      %swap3A_457 = tpu.vector_load %arg14[%swap3A_455, %swap3A_456] {strides = array<i32>} : memref<32x1008xf32, #tpu.memory_space<vmem>>, vector<16xf32>,
      tpu.vector_store %arg14[%swap3A_455, %swap3A_456], %broadcast_in_dim3A_1 {strides = array<i32>} : memref<32x1008xf32, #tpu.memory_space<vmem>>, vector<16xf32>,
      %swap3A_458 = arith.index_cast %scan3A_343 : i32 to index
      %swap3A_459 = arith.constant 608 : index
      %swap3A_460 = tpu.vector_load %arg14[%swap3A_458, %swap3A_459] {strides = array<i32>} : memref<32x1008xf32, #tpu.memory_space<vmem>>, vector<16xf32>,
      tpu.vector_store %arg14[%swap3A_458, %swap3A_459], %broadcast_in_dim3A_1 {strides = array<i32>} : memref<32x1008xf32, #tpu.memory_space<vmem>>, vector<16xf32>,
      %swap3A_461 = arith.index_cast %scan3A_343 : i32 to index
      %swap3A_462 = arith.constant 624 : index
      %swap3A_463 = tpu.vector_load %arg14[%swap3A_461, %swap3A_462] {strides = array<i32>} : memref<32x1008xf32, #tpu.memory_space<vmem>>, vector<16xf32>,
      tpu.vector_store %arg14[%swap3A_461, %swap3A_462], %broadcast_in_dim3A_1 {strides = array<i32>} : memref<32x1008xf32, #tpu.memory_space<vmem>>, vector<16xf32>,
      %swap3A_464 = arith.index_cast %scan3A_343 : i32 to index
      %swap3A_465 = arith.constant 640 : index
      %swap3A_466 = tpu.vector_load %arg14[%swap3A_464, %swap3A_465] {strides = array<i32>} : memref<32x1008xf32, #tpu.memory_space<vmem>>, vector<16xf32>,
      tpu.vector_store %arg14[%swap3A_464, %swap3A_465], %broadcast_in_dim3A_1 {strides = array<i32>} : memref<32x1008xf32, #tpu.memory_space<vmem>>, vector<16xf32>,
      %swap3A_467 = arith.index_cast %scan3A_343 : i32 to index
      %swap3A_468 = arith.constant 656 : index
      %swap3A_469 = tpu.vector_load %arg14[%swap3A_467, %swap3A_468] {strides = array<i32>} : memref<32x1008xf32, #tpu.memory_space<vmem>>, vector<16xf32>,
      tpu.vector_store %arg14[%swap3A_467, %swap3A_468], %broadcast_in_dim3A_1 {strides = array<i32>} : memref<32x1008xf32, #tpu.memory_space<vmem>>, vector<16xf32>,
      %swap3A_470 = arith.index_cast %scan3A_343 : i32 to index
      %swap3A_471 = arith.constant 672 : index
      %swap3A_472 = tpu.vector_load %arg14[%swap3A_470, %swap3A_471] {strides = array<i32>} : memref<32x1008xf32, #tpu.memory_space<vmem>>, vector<16xf32>,
      tpu.vector_store %arg14[%swap3A_470, %swap3A_471], %broadcast_in_dim3A_1 {strides = array<i32>} : memref<32x1008xf32, #tpu.memory_space<vmem>>, vector<16xf32>,
      %swap3A_473 = arith.index_cast %scan3A_343 : i32 to index
      %swap3A_474 = arith.constant 688 : index
      %swap3A_475 = tpu.vector_load %arg14[%swap3A_473, %swap3A_474] {strides = array<i32>} : memref<32x1008xf32, #tpu.memory_space<vmem>>, vector<16xf32>,
      tpu.vector_store %arg14[%swap3A_473, %swap3A_474], %broadcast_in_dim3A_1 {strides = array<i32>} : memref<32x1008xf32, #tpu.memory_space<vmem>>, vector<16xf32>,
      %swap3A_476 = arith.index_cast %scan3A_343 : i32 to index
      %swap3A_477 = arith.constant 704 : index
      %swap3A_478 = tpu.vector_load %arg14[%swap3A_476, %swap3A_477] {strides = array<i32>} : memref<32x1008xf32, #tpu.memory_space<vmem>>, vector<16xf32>,
      tpu.vector_store %arg14[%swap3A_476, %swap3A_477], %broadcast_in_dim3A_1 {strides = array<i32>} : memref<32x1008xf32, #tpu.memory_space<vmem>>, vector<16xf32>,
      %swap3A_479 = arith.index_cast %scan3A_343 : i32 to index
      %swap3A_480 = arith.constant 720 : index
      %swap3A_481 = tpu.vector_load %arg14[%swap3A_479, %swap3A_480] {strides = array<i32>} : memref<32x1008xf32, #tpu.memory_space<vmem>>, vector<16xf32>,
      tpu.vector_store %arg14[%swap3A_479, %swap3A_480], %broadcast_in_dim3A_1 {strides = array<i32>} : memref<32x1008xf32, #tpu.memory_space<vmem>>, vector<16xf32>,
      %swap3A_482 = arith.index_cast %scan3A_343 : i32 to index
      %swap3A_483 = arith.constant 736 : index
      %swap3A_484 = tpu.vector_load %arg14[%swap3A_482, %swap3A_483] {strides = array<i32>} : memref<32x1008xf32, #tpu.memory_space<vmem>>, vector<16xf32>,
      tpu.vector_store %arg14[%swap3A_482, %swap3A_483], %broadcast_in_dim3A_1 {strides = array<i32>} : memref<32x1008xf32, #tpu.memory_space<vmem>>, vector<16xf32>,
      %swap3A_485 = arith.index_cast %scan3A_343 : i32 to index
      %swap3A_486 = arith.constant 752 : index
      %swap3A_487 = tpu.vector_load %arg14[%swap3A_485, %swap3A_486] {strides = array<i32>} : memref<32x1008xf32, #tpu.memory_space<vmem>>, vector<16xf32>,
      tpu.vector_store %arg14[%swap3A_485, %swap3A_486], %broadcast_in_dim3A_1 {strides = array<i32>} : memref<32x1008xf32, #tpu.memory_space<vmem>>, vector<16xf32>,
      %swap3A_488 = arith.index_cast %scan3A_343 : i32 to index
      %swap3A_489 = arith.constant 768 : index
      %swap3A_490 = tpu.vector_load %arg14[%swap3A_488, %swap3A_489] {strides = array<i32>} : memref<32x1008xf32, #tpu.memory_space<vmem>>, vector<16xf32>,
      tpu.vector_store %arg14[%swap3A_488, %swap3A_489], %broadcast_in_dim3A_1 {strides = array<i32>} : memref<32x1008xf32, #tpu.memory_space<vmem>>, vector<16xf32>,
      %swap3A_491 = arith.index_cast %scan3A_343 : i32 to index
      %swap3A_492 = arith.constant 784 : index
      %swap3A_493 = tpu.vector_load %arg14[%swap3A_491, %swap3A_492] {strides = array<i32>} : memref<32x1008xf32, #tpu.memory_space<vmem>>, vector<16xf32>,
      tpu.vector_store %arg14[%swap3A_491, %swap3A_492], %broadcast_in_dim3A_1 {strides = array<i32>} : memref<32x1008xf32, #tpu.memory_space<vmem>>, vector<16xf32>,
      %swap3A_494 = arith.index_cast %scan3A_343 : i32 to index
      %swap3A_495 = arith.constant 800 : index
      %swap3A_496 = tpu.vector_load %arg14[%swap3A_494, %swap3A_495] {strides = array<i32>} : memref<32x1008xf32, #tpu.memory_space<vmem>>, vector<16xf32>,
      tpu.vector_store %arg14[%swap3A_494, %swap3A_495], %broadcast_in_dim3A_1 {strides = array<i32>} : memref<32x1008xf32, #tpu.memory_space<vmem>>, vector<16xf32>,
      %swap3A_497 = arith.index_cast %scan3A_343 : i32 to index
      %swap3A_498 = arith.constant 816 : index
      %swap3A_499 = tpu.vector_load %arg14[%swap3A_497, %swap3A_498] {strides = array<i32>} : memref<32x1008xf32, #tpu.memory_space<vmem>>, vector<16xf32>,
      tpu.vector_store %arg14[%swap3A_497, %swap3A_498], %broadcast_in_dim3A_1 {strides = array<i32>} : memref<32x1008xf32, #tpu.memory_space<vmem>>, vector<16xf32>,
      %swap3A_500 = arith.index_cast %scan3A_343 : i32 to index
      %swap3A_501 = arith.constant 832 : index
      %swap3A_502 = tpu.vector_load %arg14[%swap3A_500, %swap3A_501] {strides = array<i32>} : memref<32x1008xf32, #tpu.memory_space<vmem>>, vector<16xf32>,
      tpu.vector_store %arg14[%swap3A_500, %swap3A_501], %broadcast_in_dim3A_1 {strides = array<i32>} : memref<32x1008xf32, #tpu.memory_space<vmem>>, vector<16xf32>,
      %swap3A_503 = arith.index_cast %scan3A_343 : i32 to index
      %swap3A_504 = arith.constant 848 : index
      %swap3A_505 = tpu.vector_load %arg14[%swap3A_503, %swap3A_504] {strides = array<i32>} : memref<32x1008xf32, #tpu.memory_space<vmem>>, vector<16xf32>,
      tpu.vector_store %arg14[%swap3A_503, %swap3A_504], %broadcast_in_dim3A_1 {strides = array<i32>} : memref<32x1008xf32, #tpu.memory_space<vmem>>, vector<16xf32>,
      %swap3A_506 = arith.index_cast %scan3A_343 : i32 to index
      %swap3A_507 = arith.constant 864 : index
      %swap3A_508 = tpu.vector_load %arg14[%swap3A_506, %swap3A_507] {strides = array<i32>} : memref<32x1008xf32, #tpu.memory_space<vmem>>, vector<16xf32>,
      tpu.vector_store %arg14[%swap3A_506, %swap3A_507], %broadcast_in_dim3A_1 {strides = array<i32>} : memref<32x1008xf32, #tpu.memory_space<vmem>>, vector<16xf32>,
      %swap3A_509 = arith.index_cast %scan3A_343 : i32 to index
      %swap3A_510 = arith.constant 880 : index
      %swap3A_511 = tpu.vector_load %arg14[%swap3A_509, %swap3A_510] {strides = array<i32>} : memref<32x1008xf32, #tpu.memory_space<vmem>>, vector<16xf32>,
      tpu.vector_store %arg14[%swap3A_509, %swap3A_510], %broadcast_in_dim3A_1 {strides = array<i32>} : memref<32x1008xf32, #tpu.memory_space<vmem>>, vector<16xf32>,
      %swap3A_512 = arith.index_cast %scan3A_343 : i32 to index
      %swap3A_513 = arith.constant 896 : index
      %swap3A_514 = tpu.vector_load %arg14[%swap3A_512, %swap3A_513] {strides = array<i32>} : memref<32x1008xf32, #tpu.memory_space<vmem>>, vector<16xf32>,
      tpu.vector_store %arg14[%swap3A_512, %swap3A_513], %broadcast_in_dim3A_1 {strides = array<i32>} : memref<32x1008xf32, #tpu.memory_space<vmem>>, vector<16xf32>,
      %swap3A_515 = arith.index_cast %scan3A_343 : i32 to index
      %swap3A_516 = arith.constant 912 : index
      %swap3A_517 = tpu.vector_load %arg14[%swap3A_515, %swap3A_516] {strides = array<i32>} : memref<32x1008xf32, #tpu.memory_space<vmem>>, vector<16xf32>,
      tpu.vector_store %arg14[%swap3A_515, %swap3A_516], %broadcast_in_dim3A_1 {strides = array<i32>} : memref<32x1008xf32, #tpu.memory_space<vmem>>, vector<16xf32>,
      %swap3A_518 = arith.index_cast %scan3A_343 : i32 to index
      %swap3A_519 = arith.constant 928 : index
      %swap3A_520 = tpu.vector_load %arg14[%swap3A_518, %swap3A_519] {strides = array<i32>} : memref<32x1008xf32, #tpu.memory_space<vmem>>, vector<16xf32>,
      tpu.vector_store %arg14[%swap3A_518, %swap3A_519], %broadcast_in_dim3A_1 {strides = array<i32>} : memref<32x1008xf32, #tpu.memory_space<vmem>>, vector<16xf32>,
      %swap3A_521 = arith.index_cast %scan3A_343 : i32 to index
      %swap3A_522 = arith.constant 944 : index
      %swap3A_523 = tpu.vector_load %arg14[%swap3A_521, %swap3A_522] {strides = array<i32>} : memref<32x1008xf32, #tpu.memory_space<vmem>>, vector<16xf32>,
      tpu.vector_store %arg14[%swap3A_521, %swap3A_522], %broadcast_in_dim3A_1 {strides = array<i32>} : memref<32x1008xf32, #tpu.memory_space<vmem>>, vector<16xf32>,
      %swap3A_524 = arith.index_cast %scan3A_343 : i32 to index
      %swap3A_525 = arith.constant 960 : index
      %swap3A_526 = tpu.vector_load %arg14[%swap3A_524, %swap3A_525] {strides = array<i32>} : memref<32x1008xf32, #tpu.memory_space<vmem>>, vector<16xf32>,
      tpu.vector_store %arg14[%swap3A_524, %swap3A_525], %broadcast_in_dim3A_1 {strides = array<i32>} : memref<32x1008xf32, #tpu.memory_space<vmem>>, vector<16xf32>,
      %swap3A_527 = arith.index_cast %scan3A_343 : i32 to index
      %swap3A_528 = arith.constant 976 : index
      %swap3A_529 = tpu.vector_load %arg14[%swap3A_527, %swap3A_528] {strides = array<i32>} : memref<32x1008xf32, #tpu.memory_space<vmem>>, vector<16xf32>,
      tpu.vector_store %arg14[%swap3A_527, %swap3A_528], %broadcast_in_dim3A_1 {strides = array<i32>} : memref<32x1008xf32, #tpu.memory_space<vmem>>, vector<16xf32>,
      %swap3A_530 = arith.index_cast %scan3A_343 : i32 to index
      %swap3A_531 = arith.constant 992 : index
      %swap3A_532 = tpu.vector_load %arg14[%swap3A_530, %swap3A_531] {strides = array<i32>} : memref<32x1008xf32, #tpu.memory_space<vmem>>, vector<16xf32>,
      tpu.vector_store %arg14[%swap3A_530, %swap3A_531], %broadcast_in_dim3A_1 {strides = array<i32>} : memref<32x1008xf32, #tpu.memory_space<vmem>>, vector<16xf32>,
    }
    %scan3A_25 = arith.constant 32 : i32
    %dma_wait3A = arith.constant 0 : i32
    "tpu.trace_stop"() : () -> ()
    "tpu.trace_start"() <{level = 10 : i32, message = "ph_ewait"}> : () -> ()
    %dma_wait3A_26 = arith.constant 0 : i32
    %dma_wait3A_27 = tpu.memref_slice %arg4[%dma_wait3A, %dma_wait3A_26] : memref<2x4000xi32, #tpu.memory_space<hbm>> -> memref<1x4000xi32, #tpu.memory_space<hbm>>
    %dma_wait3A_28 = tpu.memref_squeeze %dma_wait3A_27 : memref<1x4000xi32, #tpu.memory_space<hbm>> -> memref<4000xi32, #tpu.memory_space<hbm>>
    %dma_wait3A_29 = arith.constant 0 : i32
    %dma_wait3A_30 = tpu.memref_slice %arg4[%dma_wait3A, %dma_wait3A_29] : memref<2x4000xi32, #tpu.memory_space<hbm>> -> memref<1x4000xi32, #tpu.memory_space<hbm>>
    %dma_wait3A_31 = tpu.memref_squeeze %dma_wait3A_30 : memref<1x4000xi32, #tpu.memory_space<hbm>> -> memref<4000xi32, #tpu.memory_space<hbm>>
    tpu.wait_dma2 semaphore(%arg17 : memref<!tpu.dma_semaphore, #tpu.memory_space<semaphore_mem>>) src(%dma_wait3A_31 : memref<4000xi32, #tpu.memory_space<hbm>>) dst(%arg12 : memref<4000xi32, #tpu.memory_space<vmem>>)
    %dma_wait3A_32 = arith.constant 1 : i32
    %dma_wait3A_33 = arith.constant 0 : i32
    %dma_wait3A_34 = tpu.memref_slice %arg4[%dma_wait3A_32, %dma_wait3A_33] : memref<2x4000xi32, #tpu.memory_space<hbm>> -> memref<1x4000xi32, #tpu.memory_space<hbm>>
    %dma_wait3A_35 = tpu.memref_squeeze %dma_wait3A_34 : memref<1x4000xi32, #tpu.memory_space<hbm>> -> memref<4000xi32, #tpu.memory_space<hbm>>
    %dma_wait3A_36 = arith.constant 0 : i32
    %dma_wait3A_37 = tpu.memref_slice %arg4[%dma_wait3A_32, %dma_wait3A_36] : memref<2x4000xi32, #tpu.memory_space<hbm>> -> memref<1x4000xi32, #tpu.memory_space<hbm>>
    %dma_wait3A_38 = tpu.memref_squeeze %dma_wait3A_37 : memref<1x4000xi32, #tpu.memory_space<hbm>> -> memref<4000xi32, #tpu.memory_space<hbm>>
    tpu.wait_dma2 semaphore(%arg17 : memref<!tpu.dma_semaphore, #tpu.memory_space<semaphore_mem>>) src(%dma_wait3A_38 : memref<4000xi32, #tpu.memory_space<hbm>>) dst(%arg13 : memref<4000xi32, #tpu.memory_space<vmem>>)
    "tpu.trace_stop"() : () -> ()
    %broadcast_in_dim3A_39 = vector.broadcast %add3A : i32 to vector<16xi32>
    %broadcast_in_dim3A_40 = arith.constant 5 : i32
    %broadcast_in_dim3A_41 = vector.broadcast %broadcast_in_dim3A_40 : i32 to vector<16xi32>
    %broadcast_in_dim3A_42 = arith.constant 31 : i32
    %broadcast_in_dim3A_43 = vector.broadcast %broadcast_in_dim3A_42 : i32 to vector<16xi32>
    %broadcast_in_dim3A_44 = arith.constant 1.000000e+00 : f32
    %broadcast_in_dim3A_45 = vector.broadcast %broadcast_in_dim3A_44 : f32 to vector<16xf32>
    "tpu.trace_start"() <{level = 10 : i32, message = "ph_scan1"}> : () -> ()
    %scan3A_46 = arith.constant 0 : i32
    %scan3A_47 = arith.constant 0 : i32
    %scan3A_48 = arith.constant 125 : i32
    %scan3A_49 = arith.addi %scan3A_47, %scan3A_48 : i32
    %scan3A_50 = arith.constant 1 : i32
    scf.for %scan3A_343 = %scan3A_47 to %scan3A_49 step %scan3A_50  : i32 {
      %mul3A_344 = arith.constant 16 : i32
      %mul3A_345 = arith.muli %scan3A_343, %mul3A_344 : i32
      %get3A = arith.index_cast %mul3A_345 : i32 to index
      %get3A_346 = tpu.vector_load %arg12[%get3A] {strides = array<i32>} : memref<4000xi32, #tpu.memory_space<vmem>>, vector<16xi32>,
      %get3A_347 = arith.index_cast %mul3A_345 : i32 to index
      %get3A_348 = tpu.vector_load %arg13[%get3A_347] {strides = array<i32>} : memref<4000xi32, #tpu.memory_space<vmem>>, vector<16xi32>,
      %shift_right_logical3A = arith.shrui %get3A_346, %broadcast_in_dim3A_41 : vector<16xi32>
      %and3A = arith.andi %get3A_346, %broadcast_in_dim3A_43 : vector<16xi32>
      %eq3A = arith.cmpi eq, %shift_right_logical3A, %broadcast_in_dim3A_39 : vector<16xi32>
      %select_n3A = arith.select %eq3A, %broadcast_in_dim3A_45, %broadcast_in_dim3A_1 : vector<16xi1>, vector<16xf32>
      tpu.vector_store_idx %arg14[%and3A, %get3A_348], %select_n3A {add = true} : memref<32x1008xf32, #tpu.memory_space<vmem>>[vector<16xi32>, vector<16xi32>], vector<16xf32>,
    }
    %scan3A_51 = arith.constant 125 : i32
    "tpu.trace_stop"() : () -> ()
    "tpu.trace_start"() <{level = 10 : i32, message = "ph_waitA"}> : () -> ()
    %dma_wait3A_52 = arith.constant 0 : i32
    %dma_wait3A_53 = arith.constant 0 : i32
    %dma_wait3A_54 = tpu.memref_slice %arg3[%dma_wait3A_52, %dma_wait3A_53] : memref<30522x768xf32, #tpu.memory_space<hbm>> -> memref<30522x768xf32, #tpu.memory_space<hbm>>
    tpu.wait_indirect_dma semaphore(%arg15 : memref<!tpu.dma_semaphore, #tpu.memory_space<semaphore_mem>>) src(%dma_wait3A_54 : memref<30522x768xf32, #tpu.memory_space<hbm>>) dst(%arg9 : memref<32x768xf32, #tpu.memory_space<vmem>>)
    "tpu.trace_stop"() : () -> ()
    "tpu.region"() ({
      %run_scoped3A = tpu.sem_alloc : memref<!tpu.dma_semaphore, #tpu.memory_space<semaphore_mem>>
      %dma_start3A_343 = arith.constant 64 : i32
      %dma_start3A_344 = tpu.memref_slice %arg2[%add3A, %dma_start3A_343] : memref<32x128xi32, #tpu.memory_space<hbm>> -> memref<1x32xi32, #tpu.memory_space<hbm>>
      %dma_start3A_345 = tpu.memref_squeeze %dma_start3A_344 : memref<1x32xi32, #tpu.memory_space<hbm>> -> memref<32xi32, #tpu.memory_space<hbm>>
      %dma_start3A_346 = arith.constant 64 : i32
      %dma_start3A_347 = tpu.memref_slice %arg2[%add3A, %dma_start3A_346] : memref<32x128xi32, #tpu.memory_space<hbm>> -> memref<1x32xi32, #tpu.memory_space<hbm>>
      %dma_start3A_348 = tpu.memref_squeeze %dma_start3A_347 : memref<1x32xi32, #tpu.memory_space<hbm>> -> memref<32xi32, #tpu.memory_space<hbm>>
      tpu.enqueue_dma source(%dma_start3A_348 : memref<32xi32, #tpu.memory_space<hbm>>) target(%arg7 : memref<32xi32, #tpu.memory_space<vmem>>) target_semaphore(%run_scoped3A : memref<!tpu.dma_semaphore, #tpu.memory_space<semaphore_mem>>)
      %dma_wait3A_349 = arith.constant 64 : i32
      %dma_wait3A_350 = tpu.memref_slice %arg2[%add3A, %dma_wait3A_349] : memref<32x128xi32, #tpu.memory_space<hbm>> -> memref<1x32xi32, #tpu.memory_space<hbm>>
      %dma_wait3A_351 = tpu.memref_squeeze %dma_wait3A_350 : memref<1x32xi32, #tpu.memory_space<hbm>> -> memref<32xi32, #tpu.memory_space<hbm>>
      %dma_wait3A_352 = arith.constant 64 : i32
      %dma_wait3A_353 = tpu.memref_slice %arg2[%add3A, %dma_wait3A_352] : memref<32x128xi32, #tpu.memory_space<hbm>> -> memref<1x32xi32, #tpu.memory_space<hbm>>
      %dma_wait3A_354 = tpu.memref_squeeze %dma_wait3A_353 : memref<1x32xi32, #tpu.memory_space<hbm>> -> memref<32xi32, #tpu.memory_space<hbm>>
      tpu.wait_dma2 semaphore(%run_scoped3A : memref<!tpu.dma_semaphore, #tpu.memory_space<semaphore_mem>>) src(%dma_wait3A_354 : memref<32xi32, #tpu.memory_space<hbm>>) dst(%arg7 : memref<32xi32, #tpu.memory_space<vmem>>)
      tpu.yield
    }) : () -> ()
    %dma_start3A_55 = arith.constant 0 : i32
    %dma_start3A_56 = arith.constant 0 : i32
    %dma_start3A_57 = tpu.memref_slice %arg3[%dma_start3A_55, %dma_start3A_56] : memref<30522x768xf32, #tpu.memory_space<hbm>> -> memref<30522x768xf32, #tpu.memory_space<hbm>>
    tpu.enqueue_indirect_dma source(%dma_start3A_57 : memref<30522x768xf32, #tpu.memory_space<hbm>>) target(%arg9 : memref<32x768xf32, #tpu.memory_space<vmem>>) offsets(%arg7 : memref<32xi32, #tpu.memory_space<vmem>>) semaphore(%arg15 : memref<!tpu.dma_semaphore, #tpu.memory_space<semaphore_mem>>) {add = true}
    "tpu.trace_start"() <{level = 10 : i32, message = "ph_scan2"}> : () -> ()
    %scan3A_58 = arith.constant 0 : i32
    %scan3A_59 = arith.constant 125 : i32
    %scan3A_60 = arith.constant 125 : i32
    %scan3A_61 = arith.addi %scan3A_59, %scan3A_60 : i32
    %scan3A_62 = arith.constant 1 : i32
    scf.for %scan3A_343 = %scan3A_59 to %scan3A_61 step %scan3A_62  : i32 {
      %mul3A_344 = arith.constant 16 : i32
      %mul3A_345 = arith.muli %scan3A_343, %mul3A_344 : i32
      %get3A = arith.index_cast %mul3A_345 : i32 to index
      %get3A_346 = tpu.vector_load %arg12[%get3A] {strides = array<i32>} : memref<4000xi32, #tpu.memory_space<vmem>>, vector<16xi32>,
      %get3A_347 = arith.index_cast %mul3A_345 : i32 to index
      %get3A_348 = tpu.vector_load %arg13[%get3A_347] {strides = array<i32>} : memref<4000xi32, #tpu.memory_space<vmem>>, vector<16xi32>,
      %shift_right_logical3A = arith.shrui %get3A_346, %broadcast_in_dim3A_41 : vector<16xi32>
      %and3A = arith.andi %get3A_346, %broadcast_in_dim3A_43 : vector<16xi32>
      %eq3A = arith.cmpi eq, %shift_right_logical3A, %broadcast_in_dim3A_39 : vector<16xi32>
      %select_n3A = arith.select %eq3A, %broadcast_in_dim3A_45, %broadcast_in_dim3A_1 : vector<16xi1>, vector<16xf32>
      tpu.vector_store_idx %arg14[%and3A, %get3A_348], %select_n3A {add = true} : memref<32x1008xf32, #tpu.memory_space<vmem>>[vector<16xi32>, vector<16xi32>], vector<16xf32>,
    }
    %scan3A_63 = arith.constant 125 : i32
    "tpu.trace_stop"() : () -> ()
    "tpu.trace_start"() <{level = 10 : i32, message = "ph_waitB"}> : () -> ()
    %dma_wait3A_64 = arith.constant 0 : i32
    %dma_wait3A_65 = arith.constant 0 : i32
    %dma_wait3A_66 = tpu.memref_slice %arg3[%dma_wait3A_64, %dma_wait3A_65] : memref<30522x768xf32, #tpu.memory_space<hbm>> -> memref<30522x768xf32, #tpu.memory_space<hbm>>
    tpu.wait_indirect_dma semaphore(%arg16 : memref<!tpu.dma_semaphore, #tpu.memory_space<semaphore_mem>>) src(%dma_wait3A_66 : memref<30522x768xf32, #tpu.memory_space<hbm>>) dst(%arg10 : memref<32x768xf32, #tpu.memory_space<vmem>>)
    "tpu.trace_stop"() : () -> ()
    "tpu.region"() ({
      %run_scoped3A = tpu.sem_alloc : memref<!tpu.dma_semaphore, #tpu.memory_space<semaphore_mem>>
      %dma_start3A_343 = arith.constant 96 : i32
      %dma_start3A_344 = tpu.memref_slice %arg2[%add3A, %dma_start3A_343] : memref<32x128xi32, #tpu.memory_space<hbm>> -> memref<1x32xi32, #tpu.memory_space<hbm>>
      %dma_start3A_345 = tpu.memref_squeeze %dma_start3A_344 : memref<1x32xi32, #tpu.memory_space<hbm>> -> memref<32xi32, #tpu.memory_space<hbm>>
      %dma_start3A_346 = arith.constant 96 : i32
      %dma_start3A_347 = tpu.memref_slice %arg2[%add3A, %dma_start3A_346] : memref<32x128xi32, #tpu.memory_space<hbm>> -> memref<1x32xi32, #tpu.memory_space<hbm>>
      %dma_start3A_348 = tpu.memref_squeeze %dma_start3A_347 : memref<1x32xi32, #tpu.memory_space<hbm>> -> memref<32xi32, #tpu.memory_space<hbm>>
      tpu.enqueue_dma source(%dma_start3A_348 : memref<32xi32, #tpu.memory_space<hbm>>) target(%arg8 : memref<32xi32, #tpu.memory_space<vmem>>) target_semaphore(%run_scoped3A : memref<!tpu.dma_semaphore, #tpu.memory_space<semaphore_mem>>)
      %dma_wait3A_349 = arith.constant 96 : i32
      %dma_wait3A_350 = tpu.memref_slice %arg2[%add3A, %dma_wait3A_349] : memref<32x128xi32, #tpu.memory_space<hbm>> -> memref<1x32xi32, #tpu.memory_space<hbm>>
      %dma_wait3A_351 = tpu.memref_squeeze %dma_wait3A_350 : memref<1x32xi32, #tpu.memory_space<hbm>> -> memref<32xi32, #tpu.memory_space<hbm>>
      %dma_wait3A_352 = arith.constant 96 : i32
      %dma_wait3A_353 = tpu.memref_slice %arg2[%add3A, %dma_wait3A_352] : memref<32x128xi32, #tpu.memory_space<hbm>> -> memref<1x32xi32, #tpu.memory_space<hbm>>
      %dma_wait3A_354 = tpu.memref_squeeze %dma_wait3A_353 : memref<1x32xi32, #tpu.memory_space<hbm>> -> memref<32xi32, #tpu.memory_space<hbm>>
      tpu.wait_dma2 semaphore(%run_scoped3A : memref<!tpu.dma_semaphore, #tpu.memory_space<semaphore_mem>>) src(%dma_wait3A_354 : memref<32xi32, #tpu.memory_space<hbm>>) dst(%arg8 : memref<32xi32, #tpu.memory_space<vmem>>)
      tpu.yield
    }) : () -> ()
    %dma_start3A_67 = arith.constant 0 : i32
    %dma_start3A_68 = arith.constant 0 : i32
    %dma_start3A_69 = tpu.memref_slice %arg3[%dma_start3A_67, %dma_start3A_68] : memref<30522x768xf32, #tpu.memory_space<hbm>> -> memref<30522x768xf32, #tpu.memory_space<hbm>>
    tpu.enqueue_indirect_dma source(%dma_start3A_69 : memref<30522x768xf32, #tpu.memory_space<hbm>>) target(%arg10 : memref<32x768xf32, #tpu.memory_space<vmem>>) offsets(%arg8 : memref<32xi32, #tpu.memory_space<vmem>>) semaphore(%arg16 : memref<!tpu.dma_semaphore, #tpu.memory_space<semaphore_mem>>) {add = true}
    %mul3A_70 = arith.constant 32 : i32
    %mul3A_71 = arith.muli %add3A, %mul3A_70 : i32
    %dma_start3A_72 = arith.constant 0 : i32
    %dma_start3A_73 = tpu.memref_slice %arg6[%mul3A_71, %dma_start3A_72] : memref<1024x1008xf32, #tpu.memory_space<hbm>> -> memref<32x1008xf32, #tpu.memory_space<hbm>>
    %dma_start3A_74 = arith.constant 0 : i32
    %dma_start3A_75 = tpu.memref_slice %arg6[%mul3A_71, %dma_start3A_74] : memref<1024x1008xf32, #tpu.memory_space<hbm>> -> memref<32x1008xf32, #tpu.memory_space<hbm>>
    tpu.enqueue_dma source(%arg14 : memref<32x1008xf32, #tpu.memory_space<vmem>>) target(%dma_start3A_75 : memref<32x1008xf32, #tpu.memory_space<hbm>>) target_semaphore(%arg17 : memref<!tpu.dma_semaphore, #tpu.memory_space<semaphore_mem>>)
    "tpu.trace_start"() <{level = 10 : i32, message = "ph_waitA2B2"}> : () -> ()
    %dma_wait3A_76 = arith.constant 0 : i32
    %dma_wait3A_77 = arith.constant 0 : i32
    %dma_wait3A_78 = tpu.memref_slice %arg3[%dma_wait3A_76, %dma_wait3A_77] : memref<30522x768xf32, #tpu.memory_space<hbm>> -> memref<30522x768xf32, #tpu.memory_space<hbm>>
    tpu.wait_indirect_dma semaphore(%arg15 : memref<!tpu.dma_semaphore, #tpu.memory_space<semaphore_mem>>) src(%dma_wait3A_78 : memref<30522x768xf32, #tpu.memory_space<hbm>>) dst(%arg9 : memref<32x768xf32, #tpu.memory_space<vmem>>)
    %dma_wait3A_79 = arith.constant 0 : i32
    %dma_wait3A_80 = arith.constant 0 : i32
    %dma_wait3A_81 = tpu.memref_slice %arg3[%dma_wait3A_79, %dma_wait3A_80] : memref<30522x768xf32, #tpu.memory_space<hbm>> -> memref<30522x768xf32, #tpu.memory_space<hbm>>
    tpu.wait_indirect_dma semaphore(%arg16 : memref<!tpu.dma_semaphore, #tpu.memory_space<semaphore_mem>>) src(%dma_wait3A_81 : memref<30522x768xf32, #tpu.memory_space<hbm>>) dst(%arg10 : memref<32x768xf32, #tpu.memory_space<vmem>>)
    "tpu.trace_stop"() : () -> ()
    "tpu.trace_start"() <{level = 10 : i32, message = "ph_reduce"}> : () -> ()
    %scan3A_82 = arith.constant 0 : i32
    %scan3A_83 = arith.constant 32 : i32
    %scan3A_84 = arith.addi %scan3A_82, %scan3A_83 : i32
    %scan3A_85 = arith.constant 1 : i32
    %scan3A_86:16 = scf.for %scan3A_343 = %scan3A_82 to %scan3A_84 step %scan3A_85 iter_args(%scan3A_344 = %broadcast_in_dim3A_1, %scan3A_345 = %broadcast_in_dim3A_1, %scan3A_346 = %broadcast_in_dim3A_1, %scan3A_347 = %broadcast_in_dim3A_1, %scan3A_348 = %broadcast_in_dim3A_1, %scan3A_349 = %broadcast_in_dim3A_1, %scan3A_350 = %broadcast_in_dim3A_1, %scan3A_351 = %broadcast_in_dim3A_1, %scan3A_352 = %broadcast_in_dim3A_1, %scan3A_353 = %broadcast_in_dim3A_1, %scan3A_354 = %broadcast_in_dim3A_1, %scan3A_355 = %broadcast_in_dim3A_1, %scan3A_356 = %broadcast_in_dim3A_1, %scan3A_357 = %broadcast_in_dim3A_1, %scan3A_358 = %broadcast_in_dim3A_1, %scan3A_359 = %broadcast_in_dim3A_1) -> (vector<16xf32>, vector<16xf32>, vector<16xf32>, vector<16xf32>, vector<16xf32>, vector<16xf32>, vector<16xf32>, vector<16xf32>, vector<16xf32>, vector<16xf32>, vector<16xf32>, vector<16xf32>, vector<16xf32>, vector<16xf32>, vector<16xf32>, vector<16xf32>)  : i32 {
      %get3A = arith.index_cast %scan3A_343 : i32 to index
      %get3A_360 = arith.constant 0 : index
      %get3A_361 = tpu.vector_load %arg9[%get3A, %get3A_360] {strides = array<i32>} : memref<32x768xf32, #tpu.memory_space<vmem>>, vector<16xf32>,
      %add3A_362 = arith.addf %scan3A_344, %get3A_361 : vector<16xf32>
      %get3A_363 = arith.index_cast %scan3A_343 : i32 to index
      %get3A_364 = arith.constant 0 : index
      %get3A_365 = tpu.vector_load %arg10[%get3A_363, %get3A_364] {strides = array<i32>} : memref<32x768xf32, #tpu.memory_space<vmem>>, vector<16xf32>,
      %add3A_366 = arith.addf %add3A_362, %get3A_365 : vector<16xf32>
      %get3A_367 = arith.index_cast %scan3A_343 : i32 to index
      %get3A_368 = arith.constant 16 : index
      %get3A_369 = tpu.vector_load %arg9[%get3A_367, %get3A_368] {strides = array<i32>} : memref<32x768xf32, #tpu.memory_space<vmem>>, vector<16xf32>,
      %add3A_370 = arith.addf %scan3A_345, %get3A_369 : vector<16xf32>
      %get3A_371 = arith.index_cast %scan3A_343 : i32 to index
      %get3A_372 = arith.constant 16 : index
      %get3A_373 = tpu.vector_load %arg10[%get3A_371, %get3A_372] {strides = array<i32>} : memref<32x768xf32, #tpu.memory_space<vmem>>, vector<16xf32>,
      %add3A_374 = arith.addf %add3A_370, %get3A_373 : vector<16xf32>
      %get3A_375 = arith.index_cast %scan3A_343 : i32 to index
      %get3A_376 = arith.constant 32 : index
      %get3A_377 = tpu.vector_load %arg9[%get3A_375, %get3A_376] {strides = array<i32>} : memref<32x768xf32, #tpu.memory_space<vmem>>, vector<16xf32>,
      %add3A_378 = arith.addf %scan3A_346, %get3A_377 : vector<16xf32>
      %get3A_379 = arith.index_cast %scan3A_343 : i32 to index
      %get3A_380 = arith.constant 32 : index
      %get3A_381 = tpu.vector_load %arg10[%get3A_379, %get3A_380] {strides = array<i32>} : memref<32x768xf32, #tpu.memory_space<vmem>>, vector<16xf32>,
      %add3A_382 = arith.addf %add3A_378, %get3A_381 : vector<16xf32>
      %get3A_383 = arith.index_cast %scan3A_343 : i32 to index
      %get3A_384 = arith.constant 48 : index
      %get3A_385 = tpu.vector_load %arg9[%get3A_383, %get3A_384] {strides = array<i32>} : memref<32x768xf32, #tpu.memory_space<vmem>>, vector<16xf32>,
      %add3A_386 = arith.addf %scan3A_347, %get3A_385 : vector<16xf32>
      %get3A_387 = arith.index_cast %scan3A_343 : i32 to index
      %get3A_388 = arith.constant 48 : index
      %get3A_389 = tpu.vector_load %arg10[%get3A_387, %get3A_388] {strides = array<i32>} : memref<32x768xf32, #tpu.memory_space<vmem>>, vector<16xf32>,
      %add3A_390 = arith.addf %add3A_386, %get3A_389 : vector<16xf32>
      %get3A_391 = arith.index_cast %scan3A_343 : i32 to index
      %get3A_392 = arith.constant 64 : index
      %get3A_393 = tpu.vector_load %arg9[%get3A_391, %get3A_392] {strides = array<i32>} : memref<32x768xf32, #tpu.memory_space<vmem>>, vector<16xf32>,
      %add3A_394 = arith.addf %scan3A_348, %get3A_393 : vector<16xf32>
      %get3A_395 = arith.index_cast %scan3A_343 : i32 to index
      %get3A_396 = arith.constant 64 : index
      %get3A_397 = tpu.vector_load %arg10[%get3A_395, %get3A_396] {strides = array<i32>} : memref<32x768xf32, #tpu.memory_space<vmem>>, vector<16xf32>,
      %add3A_398 = arith.addf %add3A_394, %get3A_397 : vector<16xf32>
      %get3A_399 = arith.index_cast %scan3A_343 : i32 to index
      %get3A_400 = arith.constant 80 : index
      %get3A_401 = tpu.vector_load %arg9[%get3A_399, %get3A_400] {strides = array<i32>} : memref<32x768xf32, #tpu.memory_space<vmem>>, vector<16xf32>,
      %add3A_402 = arith.addf %scan3A_349, %get3A_401 : vector<16xf32>
      %get3A_403 = arith.index_cast %scan3A_343 : i32 to index
      %get3A_404 = arith.constant 80 : index
      %get3A_405 = tpu.vector_load %arg10[%get3A_403, %get3A_404] {strides = array<i32>} : memref<32x768xf32, #tpu.memory_space<vmem>>, vector<16xf32>,
      %add3A_406 = arith.addf %add3A_402, %get3A_405 : vector<16xf32>
      %get3A_407 = arith.index_cast %scan3A_343 : i32 to index
      %get3A_408 = arith.constant 96 : index
      %get3A_409 = tpu.vector_load %arg9[%get3A_407, %get3A_408] {strides = array<i32>} : memref<32x768xf32, #tpu.memory_space<vmem>>, vector<16xf32>,
      %add3A_410 = arith.addf %scan3A_350, %get3A_409 : vector<16xf32>
      %get3A_411 = arith.index_cast %scan3A_343 : i32 to index
      %get3A_412 = arith.constant 96 : index
      %get3A_413 = tpu.vector_load %arg10[%get3A_411, %get3A_412] {strides = array<i32>} : memref<32x768xf32, #tpu.memory_space<vmem>>, vector<16xf32>,
      %add3A_414 = arith.addf %add3A_410, %get3A_413 : vector<16xf32>
      %get3A_415 = arith.index_cast %scan3A_343 : i32 to index
      %get3A_416 = arith.constant 112 : index
      %get3A_417 = tpu.vector_load %arg9[%get3A_415, %get3A_416] {strides = array<i32>} : memref<32x768xf32, #tpu.memory_space<vmem>>, vector<16xf32>,
      %add3A_418 = arith.addf %scan3A_351, %get3A_417 : vector<16xf32>
      %get3A_419 = arith.index_cast %scan3A_343 : i32 to index
      %get3A_420 = arith.constant 112 : index
      %get3A_421 = tpu.vector_load %arg10[%get3A_419, %get3A_420] {strides = array<i32>} : memref<32x768xf32, #tpu.memory_space<vmem>>, vector<16xf32>,
      %add3A_422 = arith.addf %add3A_418, %get3A_421 : vector<16xf32>
      %get3A_423 = arith.index_cast %scan3A_343 : i32 to index
      %get3A_424 = arith.constant 128 : index
      %get3A_425 = tpu.vector_load %arg9[%get3A_423, %get3A_424] {strides = array<i32>} : memref<32x768xf32, #tpu.memory_space<vmem>>, vector<16xf32>,
      %add3A_426 = arith.addf %scan3A_352, %get3A_425 : vector<16xf32>
      %get3A_427 = arith.index_cast %scan3A_343 : i32 to index
      %get3A_428 = arith.constant 128 : index
      %get3A_429 = tpu.vector_load %arg10[%get3A_427, %get3A_428] {strides = array<i32>} : memref<32x768xf32, #tpu.memory_space<vmem>>, vector<16xf32>,
      %add3A_430 = arith.addf %add3A_426, %get3A_429 : vector<16xf32>
      %get3A_431 = arith.index_cast %scan3A_343 : i32 to index
      %get3A_432 = arith.constant 144 : index
      %get3A_433 = tpu.vector_load %arg9[%get3A_431, %get3A_432] {strides = array<i32>} : memref<32x768xf32, #tpu.memory_space<vmem>>, vector<16xf32>,
      %add3A_434 = arith.addf %scan3A_353, %get3A_433 : vector<16xf32>
      %get3A_435 = arith.index_cast %scan3A_343 : i32 to index
      %get3A_436 = arith.constant 144 : index
      %get3A_437 = tpu.vector_load %arg10[%get3A_435, %get3A_436] {strides = array<i32>} : memref<32x768xf32, #tpu.memory_space<vmem>>, vector<16xf32>,
      %add3A_438 = arith.addf %add3A_434, %get3A_437 : vector<16xf32>
      %get3A_439 = arith.index_cast %scan3A_343 : i32 to index
      %get3A_440 = arith.constant 160 : index
      %get3A_441 = tpu.vector_load %arg9[%get3A_439, %get3A_440] {strides = array<i32>} : memref<32x768xf32, #tpu.memory_space<vmem>>, vector<16xf32>,
      %add3A_442 = arith.addf %scan3A_354, %get3A_441 : vector<16xf32>
      %get3A_443 = arith.index_cast %scan3A_343 : i32 to index
      %get3A_444 = arith.constant 160 : index
      %get3A_445 = tpu.vector_load %arg10[%get3A_443, %get3A_444] {strides = array<i32>} : memref<32x768xf32, #tpu.memory_space<vmem>>, vector<16xf32>,
      %add3A_446 = arith.addf %add3A_442, %get3A_445 : vector<16xf32>
      %get3A_447 = arith.index_cast %scan3A_343 : i32 to index
      %get3A_448 = arith.constant 176 : index
      %get3A_449 = tpu.vector_load %arg9[%get3A_447, %get3A_448] {strides = array<i32>} : memref<32x768xf32, #tpu.memory_space<vmem>>, vector<16xf32>,
      %add3A_450 = arith.addf %scan3A_355, %get3A_449 : vector<16xf32>
      %get3A_451 = arith.index_cast %scan3A_343 : i32 to index
      %get3A_452 = arith.constant 176 : index
      %get3A_453 = tpu.vector_load %arg10[%get3A_451, %get3A_452] {strides = array<i32>} : memref<32x768xf32, #tpu.memory_space<vmem>>, vector<16xf32>,
      %add3A_454 = arith.addf %add3A_450, %get3A_453 : vector<16xf32>
      %get3A_455 = arith.index_cast %scan3A_343 : i32 to index
      %get3A_456 = arith.constant 192 : index
      %get3A_457 = tpu.vector_load %arg9[%get3A_455, %get3A_456] {strides = array<i32>} : memref<32x768xf32, #tpu.memory_space<vmem>>, vector<16xf32>,
      %add3A_458 = arith.addf %scan3A_356, %get3A_457 : vector<16xf32>
      %get3A_459 = arith.index_cast %scan3A_343 : i32 to index
      %get3A_460 = arith.constant 192 : index
      %get3A_461 = tpu.vector_load %arg10[%get3A_459, %get3A_460] {strides = array<i32>} : memref<32x768xf32, #tpu.memory_space<vmem>>, vector<16xf32>,
      %add3A_462 = arith.addf %add3A_458, %get3A_461 : vector<16xf32>
      %get3A_463 = arith.index_cast %scan3A_343 : i32 to index
      %get3A_464 = arith.constant 208 : index
      %get3A_465 = tpu.vector_load %arg9[%get3A_463, %get3A_464] {strides = array<i32>} : memref<32x768xf32, #tpu.memory_space<vmem>>, vector<16xf32>,
      %add3A_466 = arith.addf %scan3A_357, %get3A_465 : vector<16xf32>
      %get3A_467 = arith.index_cast %scan3A_343 : i32 to index
      %get3A_468 = arith.constant 208 : index
      %get3A_469 = tpu.vector_load %arg10[%get3A_467, %get3A_468] {strides = array<i32>} : memref<32x768xf32, #tpu.memory_space<vmem>>, vector<16xf32>,
      %add3A_470 = arith.addf %add3A_466, %get3A_469 : vector<16xf32>
      %get3A_471 = arith.index_cast %scan3A_343 : i32 to index
      %get3A_472 = arith.constant 224 : index
      %get3A_473 = tpu.vector_load %arg9[%get3A_471, %get3A_472] {strides = array<i32>} : memref<32x768xf32, #tpu.memory_space<vmem>>, vector<16xf32>,
      %add3A_474 = arith.addf %scan3A_358, %get3A_473 : vector<16xf32>
      %get3A_475 = arith.index_cast %scan3A_343 : i32 to index
      %get3A_476 = arith.constant 224 : index
      %get3A_477 = tpu.vector_load %arg10[%get3A_475, %get3A_476] {strides = array<i32>} : memref<32x768xf32, #tpu.memory_space<vmem>>, vector<16xf32>,
      %add3A_478 = arith.addf %add3A_474, %get3A_477 : vector<16xf32>
      %get3A_479 = arith.index_cast %scan3A_343 : i32 to index
      %get3A_480 = arith.constant 240 : index
      %get3A_481 = tpu.vector_load %arg9[%get3A_479, %get3A_480] {strides = array<i32>} : memref<32x768xf32, #tpu.memory_space<vmem>>, vector<16xf32>,
      %add3A_482 = arith.addf %scan3A_359, %get3A_481 : vector<16xf32>
      %get3A_483 = arith.index_cast %scan3A_343 : i32 to index
      %get3A_484 = arith.constant 240 : index
      %get3A_485 = tpu.vector_load %arg10[%get3A_483, %get3A_484] {strides = array<i32>} : memref<32x768xf32, #tpu.memory_space<vmem>>, vector<16xf32>,
      %add3A_486 = arith.addf %add3A_482, %get3A_485 : vector<16xf32>
      scf.yield %add3A_366, %add3A_374, %add3A_382, %add3A_390, %add3A_398, %add3A_406, %add3A_414, %add3A_422, %add3A_430, %add3A_438, %add3A_446, %add3A_454, %add3A_462, %add3A_470, %add3A_478, %add3A_486 : vector<16xf32>, vector<16xf32>, vector<16xf32>, vector<16xf32>, vector<16xf32>, vector<16xf32>, vector<16xf32>, vector<16xf32>, vector<16xf32>, vector<16xf32>, vector<16xf32>, vector<16xf32>, vector<16xf32>, vector<16xf32>, vector<16xf32>, vector<16xf32>
    }
    %scan3A_87 = arith.constant 32 : i32
    %mul3A_88 = arith.constant 7.812500e-03 : f32
    %mul3A_89 = vector.broadcast %mul3A_88 : f32 to vector<16xf32>
    %mul3A_90 = arith.mulf %scan3A_86#0, %mul3A_89 : vector<16xf32>
    %swap3A = arith.constant 0 : index
    %swap3A_91 = tpu.vector_load %arg11[%swap3A] {strides = array<i32>} : memref<768xf32, #tpu.memory_space<vmem>>, vector<16xf32>,
    tpu.vector_store %arg11[%swap3A], %mul3A_90 {strides = array<i32>} : memref<768xf32, #tpu.memory_space<vmem>>, vector<16xf32>,
    %mul3A_92 = arith.constant 7.812500e-03 : f32
    %mul3A_93 = vector.broadcast %mul3A_92 : f32 to vector<16xf32>
    %mul3A_94 = arith.mulf %scan3A_86#1, %mul3A_93 : vector<16xf32>
    %swap3A_95 = arith.constant 16 : index
    %swap3A_96 = tpu.vector_load %arg11[%swap3A_95] {strides = array<i32>} : memref<768xf32, #tpu.memory_space<vmem>>, vector<16xf32>,
    tpu.vector_store %arg11[%swap3A_95], %mul3A_94 {strides = array<i32>} : memref<768xf32, #tpu.memory_space<vmem>>, vector<16xf32>,
    %mul3A_97 = arith.constant 7.812500e-03 : f32
    %mul3A_98 = vector.broadcast %mul3A_97 : f32 to vector<16xf32>
    %mul3A_99 = arith.mulf %scan3A_86#2, %mul3A_98 : vector<16xf32>
    %swap3A_100 = arith.constant 32 : index
    %swap3A_101 = tpu.vector_load %arg11[%swap3A_100] {strides = array<i32>} : memref<768xf32, #tpu.memory_space<vmem>>, vector<16xf32>,
    tpu.vector_store %arg11[%swap3A_100], %mul3A_99 {strides = array<i32>} : memref<768xf32, #tpu.memory_space<vmem>>, vector<16xf32>,
    %mul3A_102 = arith.constant 7.812500e-03 : f32
    %mul3A_103 = vector.broadcast %mul3A_102 : f32 to vector<16xf32>
    %mul3A_104 = arith.mulf %scan3A_86#3, %mul3A_103 : vector<16xf32>
    %swap3A_105 = arith.constant 48 : index
    %swap3A_106 = tpu.vector_load %arg11[%swap3A_105] {strides = array<i32>} : memref<768xf32, #tpu.memory_space<vmem>>, vector<16xf32>,
    tpu.vector_store %arg11[%swap3A_105], %mul3A_104 {strides = array<i32>} : memref<768xf32, #tpu.memory_space<vmem>>, vector<16xf32>,
    %mul3A_107 = arith.constant 7.812500e-03 : f32
    %mul3A_108 = vector.broadcast %mul3A_107 : f32 to vector<16xf32>
    %mul3A_109 = arith.mulf %scan3A_86#4, %mul3A_108 : vector<16xf32>
    %swap3A_110 = arith.constant 64 : index
    %swap3A_111 = tpu.vector_load %arg11[%swap3A_110] {strides = array<i32>} : memref<768xf32, #tpu.memory_space<vmem>>, vector<16xf32>,
    tpu.vector_store %arg11[%swap3A_110], %mul3A_109 {strides = array<i32>} : memref<768xf32, #tpu.memory_space<vmem>>, vector<16xf32>,
    %mul3A_112 = arith.constant 7.812500e-03 : f32
    %mul3A_113 = vector.broadcast %mul3A_112 : f32 to vector<16xf32>
    %mul3A_114 = arith.mulf %scan3A_86#5, %mul3A_113 : vector<16xf32>
    %swap3A_115 = arith.constant 80 : index
    %swap3A_116 = tpu.vector_load %arg11[%swap3A_115] {strides = array<i32>} : memref<768xf32, #tpu.memory_space<vmem>>, vector<16xf32>,
    tpu.vector_store %arg11[%swap3A_115], %mul3A_114 {strides = array<i32>} : memref<768xf32, #tpu.memory_space<vmem>>, vector<16xf32>,
    %mul3A_117 = arith.constant 7.812500e-03 : f32
    %mul3A_118 = vector.broadcast %mul3A_117 : f32 to vector<16xf32>
    %mul3A_119 = arith.mulf %scan3A_86#6, %mul3A_118 : vector<16xf32>
    %swap3A_120 = arith.constant 96 : index
    %swap3A_121 = tpu.vector_load %arg11[%swap3A_120] {strides = array<i32>} : memref<768xf32, #tpu.memory_space<vmem>>, vector<16xf32>,
    tpu.vector_store %arg11[%swap3A_120], %mul3A_119 {strides = array<i32>} : memref<768xf32, #tpu.memory_space<vmem>>, vector<16xf32>,
    %mul3A_122 = arith.constant 7.812500e-03 : f32
    %mul3A_123 = vector.broadcast %mul3A_122 : f32 to vector<16xf32>
    %mul3A_124 = arith.mulf %scan3A_86#7, %mul3A_123 : vector<16xf32>
    %swap3A_125 = arith.constant 112 : index
    %swap3A_126 = tpu.vector_load %arg11[%swap3A_125] {strides = array<i32>} : memref<768xf32, #tpu.memory_space<vmem>>, vector<16xf32>,
    tpu.vector_store %arg11[%swap3A_125], %mul3A_124 {strides = array<i32>} : memref<768xf32, #tpu.memory_space<vmem>>, vector<16xf32>,
    %mul3A_127 = arith.constant 7.812500e-03 : f32
    %mul3A_128 = vector.broadcast %mul3A_127 : f32 to vector<16xf32>
    %mul3A_129 = arith.mulf %scan3A_86#8, %mul3A_128 : vector<16xf32>
    %swap3A_130 = arith.constant 128 : index
    %swap3A_131 = tpu.vector_load %arg11[%swap3A_130] {strides = array<i32>} : memref<768xf32, #tpu.memory_space<vmem>>, vector<16xf32>,
    tpu.vector_store %arg11[%swap3A_130], %mul3A_129 {strides = array<i32>} : memref<768xf32, #tpu.memory_space<vmem>>, vector<16xf32>,
    %mul3A_132 = arith.constant 7.812500e-03 : f32
    %mul3A_133 = vector.broadcast %mul3A_132 : f32 to vector<16xf32>
    %mul3A_134 = arith.mulf %scan3A_86#9, %mul3A_133 : vector<16xf32>
    %swap3A_135 = arith.constant 144 : index
    %swap3A_136 = tpu.vector_load %arg11[%swap3A_135] {strides = array<i32>} : memref<768xf32, #tpu.memory_space<vmem>>, vector<16xf32>,
    tpu.vector_store %arg11[%swap3A_135], %mul3A_134 {strides = array<i32>} : memref<768xf32, #tpu.memory_space<vmem>>, vector<16xf32>,
    %mul3A_137 = arith.constant 7.812500e-03 : f32
    %mul3A_138 = vector.broadcast %mul3A_137 : f32 to vector<16xf32>
    %mul3A_139 = arith.mulf %scan3A_86#10, %mul3A_138 : vector<16xf32>
    %swap3A_140 = arith.constant 160 : index
    %swap3A_141 = tpu.vector_load %arg11[%swap3A_140] {strides = array<i32>} : memref<768xf32, #tpu.memory_space<vmem>>, vector<16xf32>,
    tpu.vector_store %arg11[%swap3A_140], %mul3A_139 {strides = array<i32>} : memref<768xf32, #tpu.memory_space<vmem>>, vector<16xf32>,
    %mul3A_142 = arith.constant 7.812500e-03 : f32
    %mul3A_143 = vector.broadcast %mul3A_142 : f32 to vector<16xf32>
    %mul3A_144 = arith.mulf %scan3A_86#11, %mul3A_143 : vector<16xf32>
    %swap3A_145 = arith.constant 176 : index
    %swap3A_146 = tpu.vector_load %arg11[%swap3A_145] {strides = array<i32>} : memref<768xf32, #tpu.memory_space<vmem>>, vector<16xf32>,
    tpu.vector_store %arg11[%swap3A_145], %mul3A_144 {strides = array<i32>} : memref<768xf32, #tpu.memory_space<vmem>>, vector<16xf32>,
    %mul3A_147 = arith.constant 7.812500e-03 : f32
    %mul3A_148 = vector.broadcast %mul3A_147 : f32 to vector<16xf32>
    %mul3A_149 = arith.mulf %scan3A_86#12, %mul3A_148 : vector<16xf32>
    %swap3A_150 = arith.constant 192 : index
    %swap3A_151 = tpu.vector_load %arg11[%swap3A_150] {strides = array<i32>} : memref<768xf32, #tpu.memory_space<vmem>>, vector<16xf32>,
    tpu.vector_store %arg11[%swap3A_150], %mul3A_149 {strides = array<i32>} : memref<768xf32, #tpu.memory_space<vmem>>, vector<16xf32>,
    %mul3A_152 = arith.constant 7.812500e-03 : f32
    %mul3A_153 = vector.broadcast %mul3A_152 : f32 to vector<16xf32>
    %mul3A_154 = arith.mulf %scan3A_86#13, %mul3A_153 : vector<16xf32>
    %swap3A_155 = arith.constant 208 : index
    %swap3A_156 = tpu.vector_load %arg11[%swap3A_155] {strides = array<i32>} : memref<768xf32, #tpu.memory_space<vmem>>, vector<16xf32>,
    tpu.vector_store %arg11[%swap3A_155], %mul3A_154 {strides = array<i32>} : memref<768xf32, #tpu.memory_space<vmem>>, vector<16xf32>,
    %mul3A_157 = arith.constant 7.812500e-03 : f32
    %mul3A_158 = vector.broadcast %mul3A_157 : f32 to vector<16xf32>
    %mul3A_159 = arith.mulf %scan3A_86#14, %mul3A_158 : vector<16xf32>
    %swap3A_160 = arith.constant 224 : index
    %swap3A_161 = tpu.vector_load %arg11[%swap3A_160] {strides = array<i32>} : memref<768xf32, #tpu.memory_space<vmem>>, vector<16xf32>,
    tpu.vector_store %arg11[%swap3A_160], %mul3A_159 {strides = array<i32>} : memref<768xf32, #tpu.memory_space<vmem>>, vector<16xf32>,
    %mul3A_162 = arith.constant 7.812500e-03 : f32
    %mul3A_163 = vector.broadcast %mul3A_162 : f32 to vector<16xf32>
    %mul3A_164 = arith.mulf %scan3A_86#15, %mul3A_163 : vector<16xf32>
    %swap3A_165 = arith.constant 240 : index
    %swap3A_166 = tpu.vector_load %arg11[%swap3A_165] {strides = array<i32>} : memref<768xf32, #tpu.memory_space<vmem>>, vector<16xf32>,
    tpu.vector_store %arg11[%swap3A_165], %mul3A_164 {strides = array<i32>} : memref<768xf32, #tpu.memory_space<vmem>>, vector<16xf32>,
    %scan3A_167 = arith.constant 0 : i32
    %scan3A_168 = arith.constant 32 : i32
    %scan3A_169 = arith.addi %scan3A_167, %scan3A_168 : i32
    %scan3A_170 = arith.constant 1 : i32
    %scan3A_171:16 = scf.for %scan3A_343 = %scan3A_167 to %scan3A_169 step %scan3A_170 iter_args(%scan3A_344 = %broadcast_in_dim3A_1, %scan3A_345 = %broadcast_in_dim3A_1, %scan3A_346 = %broadcast_in_dim3A_1, %scan3A_347 = %broadcast_in_dim3A_1, %scan3A_348 = %broadcast_in_dim3A_1, %scan3A_349 = %broadcast_in_dim3A_1, %scan3A_350 = %broadcast_in_dim3A_1, %scan3A_351 = %broadcast_in_dim3A_1, %scan3A_352 = %broadcast_in_dim3A_1, %scan3A_353 = %broadcast_in_dim3A_1, %scan3A_354 = %broadcast_in_dim3A_1, %scan3A_355 = %broadcast_in_dim3A_1, %scan3A_356 = %broadcast_in_dim3A_1, %scan3A_357 = %broadcast_in_dim3A_1, %scan3A_358 = %broadcast_in_dim3A_1, %scan3A_359 = %broadcast_in_dim3A_1) -> (vector<16xf32>, vector<16xf32>, vector<16xf32>, vector<16xf32>, vector<16xf32>, vector<16xf32>, vector<16xf32>, vector<16xf32>, vector<16xf32>, vector<16xf32>, vector<16xf32>, vector<16xf32>, vector<16xf32>, vector<16xf32>, vector<16xf32>, vector<16xf32>)  : i32 {
      %get3A = arith.index_cast %scan3A_343 : i32 to index
      %get3A_360 = arith.constant 256 : index
      %get3A_361 = tpu.vector_load %arg9[%get3A, %get3A_360] {strides = array<i32>} : memref<32x768xf32, #tpu.memory_space<vmem>>, vector<16xf32>,
      %add3A_362 = arith.addf %scan3A_344, %get3A_361 : vector<16xf32>
      %get3A_363 = arith.index_cast %scan3A_343 : i32 to index
      %get3A_364 = arith.constant 256 : index
      %get3A_365 = tpu.vector_load %arg10[%get3A_363, %get3A_364] {strides = array<i32>} : memref<32x768xf32, #tpu.memory_space<vmem>>, vector<16xf32>,
      %add3A_366 = arith.addf %add3A_362, %get3A_365 : vector<16xf32>
      %get3A_367 = arith.index_cast %scan3A_343 : i32 to index
      %get3A_368 = arith.constant 272 : index
      %get3A_369 = tpu.vector_load %arg9[%get3A_367, %get3A_368] {strides = array<i32>} : memref<32x768xf32, #tpu.memory_space<vmem>>, vector<16xf32>,
      %add3A_370 = arith.addf %scan3A_345, %get3A_369 : vector<16xf32>
      %get3A_371 = arith.index_cast %scan3A_343 : i32 to index
      %get3A_372 = arith.constant 272 : index
      %get3A_373 = tpu.vector_load %arg10[%get3A_371, %get3A_372] {strides = array<i32>} : memref<32x768xf32, #tpu.memory_space<vmem>>, vector<16xf32>,
      %add3A_374 = arith.addf %add3A_370, %get3A_373 : vector<16xf32>
      %get3A_375 = arith.index_cast %scan3A_343 : i32 to index
      %get3A_376 = arith.constant 288 : index
      %get3A_377 = tpu.vector_load %arg9[%get3A_375, %get3A_376] {strides = array<i32>} : memref<32x768xf32, #tpu.memory_space<vmem>>, vector<16xf32>,
      %add3A_378 = arith.addf %scan3A_346, %get3A_377 : vector<16xf32>
      %get3A_379 = arith.index_cast %scan3A_343 : i32 to index
      %get3A_380 = arith.constant 288 : index
      %get3A_381 = tpu.vector_load %arg10[%get3A_379, %get3A_380] {strides = array<i32>} : memref<32x768xf32, #tpu.memory_space<vmem>>, vector<16xf32>,
      %add3A_382 = arith.addf %add3A_378, %get3A_381 : vector<16xf32>
      %get3A_383 = arith.index_cast %scan3A_343 : i32 to index
      %get3A_384 = arith.constant 304 : index
      %get3A_385 = tpu.vector_load %arg9[%get3A_383, %get3A_384] {strides = array<i32>} : memref<32x768xf32, #tpu.memory_space<vmem>>, vector<16xf32>,
      %add3A_386 = arith.addf %scan3A_347, %get3A_385 : vector<16xf32>
      %get3A_387 = arith.index_cast %scan3A_343 : i32 to index
      %get3A_388 = arith.constant 304 : index
      %get3A_389 = tpu.vector_load %arg10[%get3A_387, %get3A_388] {strides = array<i32>} : memref<32x768xf32, #tpu.memory_space<vmem>>, vector<16xf32>,
      %add3A_390 = arith.addf %add3A_386, %get3A_389 : vector<16xf32>
      %get3A_391 = arith.index_cast %scan3A_343 : i32 to index
      %get3A_392 = arith.constant 320 : index
      %get3A_393 = tpu.vector_load %arg9[%get3A_391, %get3A_392] {strides = array<i32>} : memref<32x768xf32, #tpu.memory_space<vmem>>, vector<16xf32>,
      %add3A_394 = arith.addf %scan3A_348, %get3A_393 : vector<16xf32>
      %get3A_395 = arith.index_cast %scan3A_343 : i32 to index
      %get3A_396 = arith.constant 320 : index
      %get3A_397 = tpu.vector_load %arg10[%get3A_395, %get3A_396] {strides = array<i32>} : memref<32x768xf32, #tpu.memory_space<vmem>>, vector<16xf32>,
      %add3A_398 = arith.addf %add3A_394, %get3A_397 : vector<16xf32>
      %get3A_399 = arith.index_cast %scan3A_343 : i32 to index
      %get3A_400 = arith.constant 336 : index
      %get3A_401 = tpu.vector_load %arg9[%get3A_399, %get3A_400] {strides = array<i32>} : memref<32x768xf32, #tpu.memory_space<vmem>>, vector<16xf32>,
      %add3A_402 = arith.addf %scan3A_349, %get3A_401 : vector<16xf32>
      %get3A_403 = arith.index_cast %scan3A_343 : i32 to index
      %get3A_404 = arith.constant 336 : index
      %get3A_405 = tpu.vector_load %arg10[%get3A_403, %get3A_404] {strides = array<i32>} : memref<32x768xf32, #tpu.memory_space<vmem>>, vector<16xf32>,
      %add3A_406 = arith.addf %add3A_402, %get3A_405 : vector<16xf32>
      %get3A_407 = arith.index_cast %scan3A_343 : i32 to index
      %get3A_408 = arith.constant 352 : index
      %get3A_409 = tpu.vector_load %arg9[%get3A_407, %get3A_408] {strides = array<i32>} : memref<32x768xf32, #tpu.memory_space<vmem>>, vector<16xf32>,
      %add3A_410 = arith.addf %scan3A_350, %get3A_409 : vector<16xf32>
      %get3A_411 = arith.index_cast %scan3A_343 : i32 to index
      %get3A_412 = arith.constant 352 : index
      %get3A_413 = tpu.vector_load %arg10[%get3A_411, %get3A_412] {strides = array<i32>} : memref<32x768xf32, #tpu.memory_space<vmem>>, vector<16xf32>,
      %add3A_414 = arith.addf %add3A_410, %get3A_413 : vector<16xf32>
      %get3A_415 = arith.index_cast %scan3A_343 : i32 to index
      %get3A_416 = arith.constant 368 : index
      %get3A_417 = tpu.vector_load %arg9[%get3A_415, %get3A_416] {strides = array<i32>} : memref<32x768xf32, #tpu.memory_space<vmem>>, vector<16xf32>,
      %add3A_418 = arith.addf %scan3A_351, %get3A_417 : vector<16xf32>
      %get3A_419 = arith.index_cast %scan3A_343 : i32 to index
      %get3A_420 = arith.constant 368 : index
      %get3A_421 = tpu.vector_load %arg10[%get3A_419, %get3A_420] {strides = array<i32>} : memref<32x768xf32, #tpu.memory_space<vmem>>, vector<16xf32>,
      %add3A_422 = arith.addf %add3A_418, %get3A_421 : vector<16xf32>
      %get3A_423 = arith.index_cast %scan3A_343 : i32 to index
      %get3A_424 = arith.constant 384 : index
      %get3A_425 = tpu.vector_load %arg9[%get3A_423, %get3A_424] {strides = array<i32>} : memref<32x768xf32, #tpu.memory_space<vmem>>, vector<16xf32>,
      %add3A_426 = arith.addf %scan3A_352, %get3A_425 : vector<16xf32>
      %get3A_427 = arith.index_cast %scan3A_343 : i32 to index
      %get3A_428 = arith.constant 384 : index
      %get3A_429 = tpu.vector_load %arg10[%get3A_427, %get3A_428] {strides = array<i32>} : memref<32x768xf32, #tpu.memory_space<vmem>>, vector<16xf32>,
      %add3A_430 = arith.addf %add3A_426, %get3A_429 : vector<16xf32>
      %get3A_431 = arith.index_cast %scan3A_343 : i32 to index
      %get3A_432 = arith.constant 400 : index
      %get3A_433 = tpu.vector_load %arg9[%get3A_431, %get3A_432] {strides = array<i32>} : memref<32x768xf32, #tpu.memory_space<vmem>>, vector<16xf32>,
      %add3A_434 = arith.addf %scan3A_353, %get3A_433 : vector<16xf32>
      %get3A_435 = arith.index_cast %scan3A_343 : i32 to index
      %get3A_436 = arith.constant 400 : index
      %get3A_437 = tpu.vector_load %arg10[%get3A_435, %get3A_436] {strides = array<i32>} : memref<32x768xf32, #tpu.memory_space<vmem>>, vector<16xf32>,
      %add3A_438 = arith.addf %add3A_434, %get3A_437 : vector<16xf32>
      %get3A_439 = arith.index_cast %scan3A_343 : i32 to index
      %get3A_440 = arith.constant 416 : index
      %get3A_441 = tpu.vector_load %arg9[%get3A_439, %get3A_440] {strides = array<i32>} : memref<32x768xf32, #tpu.memory_space<vmem>>, vector<16xf32>,
      %add3A_442 = arith.addf %scan3A_354, %get3A_441 : vector<16xf32>
      %get3A_443 = arith.index_cast %scan3A_343 : i32 to index
      %get3A_444 = arith.constant 416 : index
      %get3A_445 = tpu.vector_load %arg10[%get3A_443, %get3A_444] {strides = array<i32>} : memref<32x768xf32, #tpu.memory_space<vmem>>, vector<16xf32>,
      %add3A_446 = arith.addf %add3A_442, %get3A_445 : vector<16xf32>
      %get3A_447 = arith.index_cast %scan3A_343 : i32 to index
      %get3A_448 = arith.constant 432 : index
      %get3A_449 = tpu.vector_load %arg9[%get3A_447, %get3A_448] {strides = array<i32>} : memref<32x768xf32, #tpu.memory_space<vmem>>, vector<16xf32>,
      %add3A_450 = arith.addf %scan3A_355, %get3A_449 : vector<16xf32>
      %get3A_451 = arith.index_cast %scan3A_343 : i32 to index
      %get3A_452 = arith.constant 432 : index
      %get3A_453 = tpu.vector_load %arg10[%get3A_451, %get3A_452] {strides = array<i32>} : memref<32x768xf32, #tpu.memory_space<vmem>>, vector<16xf32>,
      %add3A_454 = arith.addf %add3A_450, %get3A_453 : vector<16xf32>
      %get3A_455 = arith.index_cast %scan3A_343 : i32 to index
      %get3A_456 = arith.constant 448 : index
      %get3A_457 = tpu.vector_load %arg9[%get3A_455, %get3A_456] {strides = array<i32>} : memref<32x768xf32, #tpu.memory_space<vmem>>, vector<16xf32>,
      %add3A_458 = arith.addf %scan3A_356, %get3A_457 : vector<16xf32>
      %get3A_459 = arith.index_cast %scan3A_343 : i32 to index
      %get3A_460 = arith.constant 448 : index
      %get3A_461 = tpu.vector_load %arg10[%get3A_459, %get3A_460] {strides = array<i32>} : memref<32x768xf32, #tpu.memory_space<vmem>>, vector<16xf32>,
      %add3A_462 = arith.addf %add3A_458, %get3A_461 : vector<16xf32>
      %get3A_463 = arith.index_cast %scan3A_343 : i32 to index
      %get3A_464 = arith.constant 464 : index
      %get3A_465 = tpu.vector_load %arg9[%get3A_463, %get3A_464] {strides = array<i32>} : memref<32x768xf32, #tpu.memory_space<vmem>>, vector<16xf32>,
      %add3A_466 = arith.addf %scan3A_357, %get3A_465 : vector<16xf32>
      %get3A_467 = arith.index_cast %scan3A_343 : i32 to index
      %get3A_468 = arith.constant 464 : index
      %get3A_469 = tpu.vector_load %arg10[%get3A_467, %get3A_468] {strides = array<i32>} : memref<32x768xf32, #tpu.memory_space<vmem>>, vector<16xf32>,
      %add3A_470 = arith.addf %add3A_466, %get3A_469 : vector<16xf32>
      %get3A_471 = arith.index_cast %scan3A_343 : i32 to index
      %get3A_472 = arith.constant 480 : index
      %get3A_473 = tpu.vector_load %arg9[%get3A_471, %get3A_472] {strides = array<i32>} : memref<32x768xf32, #tpu.memory_space<vmem>>, vector<16xf32>,
      %add3A_474 = arith.addf %scan3A_358, %get3A_473 : vector<16xf32>
      %get3A_475 = arith.index_cast %scan3A_343 : i32 to index
      %get3A_476 = arith.constant 480 : index
      %get3A_477 = tpu.vector_load %arg10[%get3A_475, %get3A_476] {strides = array<i32>} : memref<32x768xf32, #tpu.memory_space<vmem>>, vector<16xf32>,
      %add3A_478 = arith.addf %add3A_474, %get3A_477 : vector<16xf32>
      %get3A_479 = arith.index_cast %scan3A_343 : i32 to index
      %get3A_480 = arith.constant 496 : index
      %get3A_481 = tpu.vector_load %arg9[%get3A_479, %get3A_480] {strides = array<i32>} : memref<32x768xf32, #tpu.memory_space<vmem>>, vector<16xf32>,
      %add3A_482 = arith.addf %scan3A_359, %get3A_481 : vector<16xf32>
      %get3A_483 = arith.index_cast %scan3A_343 : i32 to index
      %get3A_484 = arith.constant 496 : index
      %get3A_485 = tpu.vector_load %arg10[%get3A_483, %get3A_484] {strides = array<i32>} : memref<32x768xf32, #tpu.memory_space<vmem>>, vector<16xf32>,
      %add3A_486 = arith.addf %add3A_482, %get3A_485 : vector<16xf32>
      scf.yield %add3A_366, %add3A_374, %add3A_382, %add3A_390, %add3A_398, %add3A_406, %add3A_414, %add3A_422, %add3A_430, %add3A_438, %add3A_446, %add3A_454, %add3A_462, %add3A_470, %add3A_478, %add3A_486 : vector<16xf32>, vector<16xf32>, vector<16xf32>, vector<16xf32>, vector<16xf32>, vector<16xf32>, vector<16xf32>, vector<16xf32>, vector<16xf32>, vector<16xf32>, vector<16xf32>, vector<16xf32>, vector<16xf32>, vector<16xf32>, vector<16xf32>, vector<16xf32>
    }
    %scan3A_172 = arith.constant 32 : i32
    %mul3A_173 = arith.constant 7.812500e-03 : f32
    %mul3A_174 = vector.broadcast %mul3A_173 : f32 to vector<16xf32>
    %mul3A_175 = arith.mulf %scan3A_171#0, %mul3A_174 : vector<16xf32>
    %swap3A_176 = arith.constant 256 : index
    %swap3A_177 = tpu.vector_load %arg11[%swap3A_176] {strides = array<i32>} : memref<768xf32, #tpu.memory_space<vmem>>, vector<16xf32>,
    tpu.vector_store %arg11[%swap3A_176], %mul3A_175 {strides = array<i32>} : memref<768xf32, #tpu.memory_space<vmem>>, vector<16xf32>,
    %mul3A_178 = arith.constant 7.812500e-03 : f32
    %mul3A_179 = vector.broadcast %mul3A_178 : f32 to vector<16xf32>
    %mul3A_180 = arith.mulf %scan3A_171#1, %mul3A_179 : vector<16xf32>
    %swap3A_181 = arith.constant 272 : index
    %swap3A_182 = tpu.vector_load %arg11[%swap3A_181] {strides = array<i32>} : memref<768xf32, #tpu.memory_space<vmem>>, vector<16xf32>,
    tpu.vector_store %arg11[%swap3A_181], %mul3A_180 {strides = array<i32>} : memref<768xf32, #tpu.memory_space<vmem>>, vector<16xf32>,
    %mul3A_183 = arith.constant 7.812500e-03 : f32
    %mul3A_184 = vector.broadcast %mul3A_183 : f32 to vector<16xf32>
    %mul3A_185 = arith.mulf %scan3A_171#2, %mul3A_184 : vector<16xf32>
    %swap3A_186 = arith.constant 288 : index
    %swap3A_187 = tpu.vector_load %arg11[%swap3A_186] {strides = array<i32>} : memref<768xf32, #tpu.memory_space<vmem>>, vector<16xf32>,
    tpu.vector_store %arg11[%swap3A_186], %mul3A_185 {strides = array<i32>} : memref<768xf32, #tpu.memory_space<vmem>>, vector<16xf32>,
    %mul3A_188 = arith.constant 7.812500e-03 : f32
    %mul3A_189 = vector.broadcast %mul3A_188 : f32 to vector<16xf32>
    %mul3A_190 = arith.mulf %scan3A_171#3, %mul3A_189 : vector<16xf32>
    %swap3A_191 = arith.constant 304 : index
    %swap3A_192 = tpu.vector_load %arg11[%swap3A_191] {strides = array<i32>} : memref<768xf32, #tpu.memory_space<vmem>>, vector<16xf32>,
    tpu.vector_store %arg11[%swap3A_191], %mul3A_190 {strides = array<i32>} : memref<768xf32, #tpu.memory_space<vmem>>, vector<16xf32>,
    %mul3A_193 = arith.constant 7.812500e-03 : f32
    %mul3A_194 = vector.broadcast %mul3A_193 : f32 to vector<16xf32>
    %mul3A_195 = arith.mulf %scan3A_171#4, %mul3A_194 : vector<16xf32>
    %swap3A_196 = arith.constant 320 : index
    %swap3A_197 = tpu.vector_load %arg11[%swap3A_196] {strides = array<i32>} : memref<768xf32, #tpu.memory_space<vmem>>, vector<16xf32>,
    tpu.vector_store %arg11[%swap3A_196], %mul3A_195 {strides = array<i32>} : memref<768xf32, #tpu.memory_space<vmem>>, vector<16xf32>,
    %mul3A_198 = arith.constant 7.812500e-03 : f32
    %mul3A_199 = vector.broadcast %mul3A_198 : f32 to vector<16xf32>
    %mul3A_200 = arith.mulf %scan3A_171#5, %mul3A_199 : vector<16xf32>
    %swap3A_201 = arith.constant 336 : index
    %swap3A_202 = tpu.vector_load %arg11[%swap3A_201] {strides = array<i32>} : memref<768xf32, #tpu.memory_space<vmem>>, vector<16xf32>,
    tpu.vector_store %arg11[%swap3A_201], %mul3A_200 {strides = array<i32>} : memref<768xf32, #tpu.memory_space<vmem>>, vector<16xf32>,
    %mul3A_203 = arith.constant 7.812500e-03 : f32
    %mul3A_204 = vector.broadcast %mul3A_203 : f32 to vector<16xf32>
    %mul3A_205 = arith.mulf %scan3A_171#6, %mul3A_204 : vector<16xf32>
    %swap3A_206 = arith.constant 352 : index
    %swap3A_207 = tpu.vector_load %arg11[%swap3A_206] {strides = array<i32>} : memref<768xf32, #tpu.memory_space<vmem>>, vector<16xf32>,
    tpu.vector_store %arg11[%swap3A_206], %mul3A_205 {strides = array<i32>} : memref<768xf32, #tpu.memory_space<vmem>>, vector<16xf32>,
    %mul3A_208 = arith.constant 7.812500e-03 : f32
    %mul3A_209 = vector.broadcast %mul3A_208 : f32 to vector<16xf32>
    %mul3A_210 = arith.mulf %scan3A_171#7, %mul3A_209 : vector<16xf32>
    %swap3A_211 = arith.constant 368 : index
    %swap3A_212 = tpu.vector_load %arg11[%swap3A_211] {strides = array<i32>} : memref<768xf32, #tpu.memory_space<vmem>>, vector<16xf32>,
    tpu.vector_store %arg11[%swap3A_211], %mul3A_210 {strides = array<i32>} : memref<768xf32, #tpu.memory_space<vmem>>, vector<16xf32>,
    %mul3A_213 = arith.constant 7.812500e-03 : f32
    %mul3A_214 = vector.broadcast %mul3A_213 : f32 to vector<16xf32>
    %mul3A_215 = arith.mulf %scan3A_171#8, %mul3A_214 : vector<16xf32>
    %swap3A_216 = arith.constant 384 : index
    %swap3A_217 = tpu.vector_load %arg11[%swap3A_216] {strides = array<i32>} : memref<768xf32, #tpu.memory_space<vmem>>, vector<16xf32>,
    tpu.vector_store %arg11[%swap3A_216], %mul3A_215 {strides = array<i32>} : memref<768xf32, #tpu.memory_space<vmem>>, vector<16xf32>,
    %mul3A_218 = arith.constant 7.812500e-03 : f32
    %mul3A_219 = vector.broadcast %mul3A_218 : f32 to vector<16xf32>
    %mul3A_220 = arith.mulf %scan3A_171#9, %mul3A_219 : vector<16xf32>
    %swap3A_221 = arith.constant 400 : index
    %swap3A_222 = tpu.vector_load %arg11[%swap3A_221] {strides = array<i32>} : memref<768xf32, #tpu.memory_space<vmem>>, vector<16xf32>,
    tpu.vector_store %arg11[%swap3A_221], %mul3A_220 {strides = array<i32>} : memref<768xf32, #tpu.memory_space<vmem>>, vector<16xf32>,
    %mul3A_223 = arith.constant 7.812500e-03 : f32
    %mul3A_224 = vector.broadcast %mul3A_223 : f32 to vector<16xf32>
    %mul3A_225 = arith.mulf %scan3A_171#10, %mul3A_224 : vector<16xf32>
    %swap3A_226 = arith.constant 416 : index
    %swap3A_227 = tpu.vector_load %arg11[%swap3A_226] {strides = array<i32>} : memref<768xf32, #tpu.memory_space<vmem>>, vector<16xf32>,
    tpu.vector_store %arg11[%swap3A_226], %mul3A_225 {strides = array<i32>} : memref<768xf32, #tpu.memory_space<vmem>>, vector<16xf32>,
    %mul3A_228 = arith.constant 7.812500e-03 : f32
    %mul3A_229 = vector.broadcast %mul3A_228 : f32 to vector<16xf32>
    %mul3A_230 = arith.mulf %scan3A_171#11, %mul3A_229 : vector<16xf32>
    %swap3A_231 = arith.constant 432 : index
    %swap3A_232 = tpu.vector_load %arg11[%swap3A_231] {strides = array<i32>} : memref<768xf32, #tpu.memory_space<vmem>>, vector<16xf32>,
    tpu.vector_store %arg11[%swap3A_231], %mul3A_230 {strides = array<i32>} : memref<768xf32, #tpu.memory_space<vmem>>, vector<16xf32>,
    %mul3A_233 = arith.constant 7.812500e-03 : f32
    %mul3A_234 = vector.broadcast %mul3A_233 : f32 to vector<16xf32>
    %mul3A_235 = arith.mulf %scan3A_171#12, %mul3A_234 : vector<16xf32>
    %swap3A_236 = arith.constant 448 : index
    %swap3A_237 = tpu.vector_load %arg11[%swap3A_236] {strides = array<i32>} : memref<768xf32, #tpu.memory_space<vmem>>, vector<16xf32>,
    tpu.vector_store %arg11[%swap3A_236], %mul3A_235 {strides = array<i32>} : memref<768xf32, #tpu.memory_space<vmem>>, vector<16xf32>,
    %mul3A_238 = arith.constant 7.812500e-03 : f32
    %mul3A_239 = vector.broadcast %mul3A_238 : f32 to vector<16xf32>
    %mul3A_240 = arith.mulf %scan3A_171#13, %mul3A_239 : vector<16xf32>
    %swap3A_241 = arith.constant 464 : index
    %swap3A_242 = tpu.vector_load %arg11[%swap3A_241] {strides = array<i32>} : memref<768xf32, #tpu.memory_space<vmem>>, vector<16xf32>,
    tpu.vector_store %arg11[%swap3A_241], %mul3A_240 {strides = array<i32>} : memref<768xf32, #tpu.memory_space<vmem>>, vector<16xf32>,
    %mul3A_243 = arith.constant 7.812500e-03 : f32
    %mul3A_244 = vector.broadcast %mul3A_243 : f32 to vector<16xf32>
    %mul3A_245 = arith.mulf %scan3A_171#14, %mul3A_244 : vector<16xf32>
    %swap3A_246 = arith.constant 480 : index
    %swap3A_247 = tpu.vector_load %arg11[%swap3A_246] {strides = array<i32>} : memref<768xf32, #tpu.memory_space<vmem>>, vector<16xf32>,
    tpu.vector_store %arg11[%swap3A_246], %mul3A_245 {strides = array<i32>} : memref<768xf32, #tpu.memory_space<vmem>>, vector<16xf32>,
    %mul3A_248 = arith.constant 7.812500e-03 : f32
    %mul3A_249 = vector.broadcast %mul3A_248 : f32 to vector<16xf32>
    %mul3A_250 = arith.mulf %scan3A_171#15, %mul3A_249 : vector<16xf32>
    %swap3A_251 = arith.constant 496 : index
    %swap3A_252 = tpu.vector_load %arg11[%swap3A_251] {strides = array<i32>} : memref<768xf32, #tpu.memory_space<vmem>>, vector<16xf32>,
    tpu.vector_store %arg11[%swap3A_251], %mul3A_250 {strides = array<i32>} : memref<768xf32, #tpu.memory_space<vmem>>, vector<16xf32>,
    %scan3A_253 = arith.constant 0 : i32
    %scan3A_254 = arith.constant 32 : i32
    %scan3A_255 = arith.addi %scan3A_253, %scan3A_254 : i32
    %scan3A_256 = arith.constant 1 : i32
    %scan3A_257:16 = scf.for %scan3A_343 = %scan3A_253 to %scan3A_255 step %scan3A_256 iter_args(%scan3A_344 = %broadcast_in_dim3A_1, %scan3A_345 = %broadcast_in_dim3A_1, %scan3A_346 = %broadcast_in_dim3A_1, %scan3A_347 = %broadcast_in_dim3A_1, %scan3A_348 = %broadcast_in_dim3A_1, %scan3A_349 = %broadcast_in_dim3A_1, %scan3A_350 = %broadcast_in_dim3A_1, %scan3A_351 = %broadcast_in_dim3A_1, %scan3A_352 = %broadcast_in_dim3A_1, %scan3A_353 = %broadcast_in_dim3A_1, %scan3A_354 = %broadcast_in_dim3A_1, %scan3A_355 = %broadcast_in_dim3A_1, %scan3A_356 = %broadcast_in_dim3A_1, %scan3A_357 = %broadcast_in_dim3A_1, %scan3A_358 = %broadcast_in_dim3A_1, %scan3A_359 = %broadcast_in_dim3A_1) -> (vector<16xf32>, vector<16xf32>, vector<16xf32>, vector<16xf32>, vector<16xf32>, vector<16xf32>, vector<16xf32>, vector<16xf32>, vector<16xf32>, vector<16xf32>, vector<16xf32>, vector<16xf32>, vector<16xf32>, vector<16xf32>, vector<16xf32>, vector<16xf32>)  : i32 {
      %get3A = arith.index_cast %scan3A_343 : i32 to index
      %get3A_360 = arith.constant 512 : index
      %get3A_361 = tpu.vector_load %arg9[%get3A, %get3A_360] {strides = array<i32>} : memref<32x768xf32, #tpu.memory_space<vmem>>, vector<16xf32>,
      %add3A_362 = arith.addf %scan3A_344, %get3A_361 : vector<16xf32>
      %get3A_363 = arith.index_cast %scan3A_343 : i32 to index
      %get3A_364 = arith.constant 512 : index
      %get3A_365 = tpu.vector_load %arg10[%get3A_363, %get3A_364] {strides = array<i32>} : memref<32x768xf32, #tpu.memory_space<vmem>>, vector<16xf32>,
      %add3A_366 = arith.addf %add3A_362, %get3A_365 : vector<16xf32>
      %get3A_367 = arith.index_cast %scan3A_343 : i32 to index
      %get3A_368 = arith.constant 528 : index
      %get3A_369 = tpu.vector_load %arg9[%get3A_367, %get3A_368] {strides = array<i32>} : memref<32x768xf32, #tpu.memory_space<vmem>>, vector<16xf32>,
      %add3A_370 = arith.addf %scan3A_345, %get3A_369 : vector<16xf32>
      %get3A_371 = arith.index_cast %scan3A_343 : i32 to index
      %get3A_372 = arith.constant 528 : index
      %get3A_373 = tpu.vector_load %arg10[%get3A_371, %get3A_372] {strides = array<i32>} : memref<32x768xf32, #tpu.memory_space<vmem>>, vector<16xf32>,
      %add3A_374 = arith.addf %add3A_370, %get3A_373 : vector<16xf32>
      %get3A_375 = arith.index_cast %scan3A_343 : i32 to index
      %get3A_376 = arith.constant 544 : index
      %get3A_377 = tpu.vector_load %arg9[%get3A_375, %get3A_376] {strides = array<i32>} : memref<32x768xf32, #tpu.memory_space<vmem>>, vector<16xf32>,
      %add3A_378 = arith.addf %scan3A_346, %get3A_377 : vector<16xf32>
      %get3A_379 = arith.index_cast %scan3A_343 : i32 to index
      %get3A_380 = arith.constant 544 : index
      %get3A_381 = tpu.vector_load %arg10[%get3A_379, %get3A_380] {strides = array<i32>} : memref<32x768xf32, #tpu.memory_space<vmem>>, vector<16xf32>,
      %add3A_382 = arith.addf %add3A_378, %get3A_381 : vector<16xf32>
      %get3A_383 = arith.index_cast %scan3A_343 : i32 to index
      %get3A_384 = arith.constant 560 : index
      %get3A_385 = tpu.vector_load %arg9[%get3A_383, %get3A_384] {strides = array<i32>} : memref<32x768xf32, #tpu.memory_space<vmem>>, vector<16xf32>,
      %add3A_386 = arith.addf %scan3A_347, %get3A_385 : vector<16xf32>
      %get3A_387 = arith.index_cast %scan3A_343 : i32 to index
      %get3A_388 = arith.constant 560 : index
      %get3A_389 = tpu.vector_load %arg10[%get3A_387, %get3A_388] {strides = array<i32>} : memref<32x768xf32, #tpu.memory_space<vmem>>, vector<16xf32>,
      %add3A_390 = arith.addf %add3A_386, %get3A_389 : vector<16xf32>
      %get3A_391 = arith.index_cast %scan3A_343 : i32 to index
      %get3A_392 = arith.constant 576 : index
      %get3A_393 = tpu.vector_load %arg9[%get3A_391, %get3A_392] {strides = array<i32>} : memref<32x768xf32, #tpu.memory_space<vmem>>, vector<16xf32>,
      %add3A_394 = arith.addf %scan3A_348, %get3A_393 : vector<16xf32>
      %get3A_395 = arith.index_cast %scan3A_343 : i32 to index
      %get3A_396 = arith.constant 576 : index
      %get3A_397 = tpu.vector_load %arg10[%get3A_395, %get3A_396] {strides = array<i32>} : memref<32x768xf32, #tpu.memory_space<vmem>>, vector<16xf32>,
      %add3A_398 = arith.addf %add3A_394, %get3A_397 : vector<16xf32>
      %get3A_399 = arith.index_cast %scan3A_343 : i32 to index
      %get3A_400 = arith.constant 592 : index
      %get3A_401 = tpu.vector_load %arg9[%get3A_399, %get3A_400] {strides = array<i32>} : memref<32x768xf32, #tpu.memory_space<vmem>>, vector<16xf32>,
      %add3A_402 = arith.addf %scan3A_349, %get3A_401 : vector<16xf32>
      %get3A_403 = arith.index_cast %scan3A_343 : i32 to index
      %get3A_404 = arith.constant 592 : index
      %get3A_405 = tpu.vector_load %arg10[%get3A_403, %get3A_404] {strides = array<i32>} : memref<32x768xf32, #tpu.memory_space<vmem>>, vector<16xf32>,
      %add3A_406 = arith.addf %add3A_402, %get3A_405 : vector<16xf32>
      %get3A_407 = arith.index_cast %scan3A_343 : i32 to index
      %get3A_408 = arith.constant 608 : index
      %get3A_409 = tpu.vector_load %arg9[%get3A_407, %get3A_408] {strides = array<i32>} : memref<32x768xf32, #tpu.memory_space<vmem>>, vector<16xf32>,
      %add3A_410 = arith.addf %scan3A_350, %get3A_409 : vector<16xf32>
      %get3A_411 = arith.index_cast %scan3A_343 : i32 to index
      %get3A_412 = arith.constant 608 : index
      %get3A_413 = tpu.vector_load %arg10[%get3A_411, %get3A_412] {strides = array<i32>} : memref<32x768xf32, #tpu.memory_space<vmem>>, vector<16xf32>,
      %add3A_414 = arith.addf %add3A_410, %get3A_413 : vector<16xf32>
      %get3A_415 = arith.index_cast %scan3A_343 : i32 to index
      %get3A_416 = arith.constant 624 : index
      %get3A_417 = tpu.vector_load %arg9[%get3A_415, %get3A_416] {strides = array<i32>} : memref<32x768xf32, #tpu.memory_space<vmem>>, vector<16xf32>,
      %add3A_418 = arith.addf %scan3A_351, %get3A_417 : vector<16xf32>
      %get3A_419 = arith.index_cast %scan3A_343 : i32 to index
      %get3A_420 = arith.constant 624 : index
      %get3A_421 = tpu.vector_load %arg10[%get3A_419, %get3A_420] {strides = array<i32>} : memref<32x768xf32, #tpu.memory_space<vmem>>, vector<16xf32>,
      %add3A_422 = arith.addf %add3A_418, %get3A_421 : vector<16xf32>
      %get3A_423 = arith.index_cast %scan3A_343 : i32 to index
      %get3A_424 = arith.constant 640 : index
      %get3A_425 = tpu.vector_load %arg9[%get3A_423, %get3A_424] {strides = array<i32>} : memref<32x768xf32, #tpu.memory_space<vmem>>, vector<16xf32>,
      %add3A_426 = arith.addf %scan3A_352, %get3A_425 : vector<16xf32>
      %get3A_427 = arith.index_cast %scan3A_343 : i32 to index
      %get3A_428 = arith.constant 640 : index
      %get3A_429 = tpu.vector_load %arg10[%get3A_427, %get3A_428] {strides = array<i32>} : memref<32x768xf32, #tpu.memory_space<vmem>>, vector<16xf32>,
      %add3A_430 = arith.addf %add3A_426, %get3A_429 : vector<16xf32>
      %get3A_431 = arith.index_cast %scan3A_343 : i32 to index
      %get3A_432 = arith.constant 656 : index
      %get3A_433 = tpu.vector_load %arg9[%get3A_431, %get3A_432] {strides = array<i32>} : memref<32x768xf32, #tpu.memory_space<vmem>>, vector<16xf32>,
      %add3A_434 = arith.addf %scan3A_353, %get3A_433 : vector<16xf32>
      %get3A_435 = arith.index_cast %scan3A_343 : i32 to index
      %get3A_436 = arith.constant 656 : index
      %get3A_437 = tpu.vector_load %arg10[%get3A_435, %get3A_436] {strides = array<i32>} : memref<32x768xf32, #tpu.memory_space<vmem>>, vector<16xf32>,
      %add3A_438 = arith.addf %add3A_434, %get3A_437 : vector<16xf32>
      %get3A_439 = arith.index_cast %scan3A_343 : i32 to index
      %get3A_440 = arith.constant 672 : index
      %get3A_441 = tpu.vector_load %arg9[%get3A_439, %get3A_440] {strides = array<i32>} : memref<32x768xf32, #tpu.memory_space<vmem>>, vector<16xf32>,
      %add3A_442 = arith.addf %scan3A_354, %get3A_441 : vector<16xf32>
      %get3A_443 = arith.index_cast %scan3A_343 : i32 to index
      %get3A_444 = arith.constant 672 : index
      %get3A_445 = tpu.vector_load %arg10[%get3A_443, %get3A_444] {strides = array<i32>} : memref<32x768xf32, #tpu.memory_space<vmem>>, vector<16xf32>,
      %add3A_446 = arith.addf %add3A_442, %get3A_445 : vector<16xf32>
      %get3A_447 = arith.index_cast %scan3A_343 : i32 to index
      %get3A_448 = arith.constant 688 : index
      %get3A_449 = tpu.vector_load %arg9[%get3A_447, %get3A_448] {strides = array<i32>} : memref<32x768xf32, #tpu.memory_space<vmem>>, vector<16xf32>,
      %add3A_450 = arith.addf %scan3A_355, %get3A_449 : vector<16xf32>
      %get3A_451 = arith.index_cast %scan3A_343 : i32 to index
      %get3A_452 = arith.constant 688 : index
      %get3A_453 = tpu.vector_load %arg10[%get3A_451, %get3A_452] {strides = array<i32>} : memref<32x768xf32, #tpu.memory_space<vmem>>, vector<16xf32>,
      %add3A_454 = arith.addf %add3A_450, %get3A_453 : vector<16xf32>
      %get3A_455 = arith.index_cast %scan3A_343 : i32 to index
      %get3A_456 = arith.constant 704 : index
      %get3A_457 = tpu.vector_load %arg9[%get3A_455, %get3A_456] {strides = array<i32>} : memref<32x768xf32, #tpu.memory_space<vmem>>, vector<16xf32>,
      %add3A_458 = arith.addf %scan3A_356, %get3A_457 : vector<16xf32>
      %get3A_459 = arith.index_cast %scan3A_343 : i32 to index
      %get3A_460 = arith.constant 704 : index
      %get3A_461 = tpu.vector_load %arg10[%get3A_459, %get3A_460] {strides = array<i32>} : memref<32x768xf32, #tpu.memory_space<vmem>>, vector<16xf32>,
      %add3A_462 = arith.addf %add3A_458, %get3A_461 : vector<16xf32>
      %get3A_463 = arith.index_cast %scan3A_343 : i32 to index
      %get3A_464 = arith.constant 720 : index
      %get3A_465 = tpu.vector_load %arg9[%get3A_463, %get3A_464] {strides = array<i32>} : memref<32x768xf32, #tpu.memory_space<vmem>>, vector<16xf32>,
      %add3A_466 = arith.addf %scan3A_357, %get3A_465 : vector<16xf32>
      %get3A_467 = arith.index_cast %scan3A_343 : i32 to index
      %get3A_468 = arith.constant 720 : index
      %get3A_469 = tpu.vector_load %arg10[%get3A_467, %get3A_468] {strides = array<i32>} : memref<32x768xf32, #tpu.memory_space<vmem>>, vector<16xf32>,
      %add3A_470 = arith.addf %add3A_466, %get3A_469 : vector<16xf32>
      %get3A_471 = arith.index_cast %scan3A_343 : i32 to index
      %get3A_472 = arith.constant 736 : index
      %get3A_473 = tpu.vector_load %arg9[%get3A_471, %get3A_472] {strides = array<i32>} : memref<32x768xf32, #tpu.memory_space<vmem>>, vector<16xf32>,
      %add3A_474 = arith.addf %scan3A_358, %get3A_473 : vector<16xf32>
      %get3A_475 = arith.index_cast %scan3A_343 : i32 to index
      %get3A_476 = arith.constant 736 : index
      %get3A_477 = tpu.vector_load %arg10[%get3A_475, %get3A_476] {strides = array<i32>} : memref<32x768xf32, #tpu.memory_space<vmem>>, vector<16xf32>,
      %add3A_478 = arith.addf %add3A_474, %get3A_477 : vector<16xf32>
      %get3A_479 = arith.index_cast %scan3A_343 : i32 to index
      %get3A_480 = arith.constant 752 : index
      %get3A_481 = tpu.vector_load %arg9[%get3A_479, %get3A_480] {strides = array<i32>} : memref<32x768xf32, #tpu.memory_space<vmem>>, vector<16xf32>,
      %add3A_482 = arith.addf %scan3A_359, %get3A_481 : vector<16xf32>
      %get3A_483 = arith.index_cast %scan3A_343 : i32 to index
      %get3A_484 = arith.constant 752 : index
      %get3A_485 = tpu.vector_load %arg10[%get3A_483, %get3A_484] {strides = array<i32>} : memref<32x768xf32, #tpu.memory_space<vmem>>, vector<16xf32>,
      %add3A_486 = arith.addf %add3A_482, %get3A_485 : vector<16xf32>
      scf.yield %add3A_366, %add3A_374, %add3A_382, %add3A_390, %add3A_398, %add3A_406, %add3A_414, %add3A_422, %add3A_430, %add3A_438, %add3A_446, %add3A_454, %add3A_462, %add3A_470, %add3A_478, %add3A_486 : vector<16xf32>, vector<16xf32>, vector<16xf32>, vector<16xf32>, vector<16xf32>, vector<16xf32>, vector<16xf32>, vector<16xf32>, vector<16xf32>, vector<16xf32>, vector<16xf32>, vector<16xf32>, vector<16xf32>, vector<16xf32>, vector<16xf32>, vector<16xf32>
    }
    %scan3A_258 = arith.constant 32 : i32
    %mul3A_259 = arith.constant 7.812500e-03 : f32
    %mul3A_260 = vector.broadcast %mul3A_259 : f32 to vector<16xf32>
    %mul3A_261 = arith.mulf %scan3A_257#0, %mul3A_260 : vector<16xf32>
    %swap3A_262 = arith.constant 512 : index
    %swap3A_263 = tpu.vector_load %arg11[%swap3A_262] {strides = array<i32>} : memref<768xf32, #tpu.memory_space<vmem>>, vector<16xf32>,
    tpu.vector_store %arg11[%swap3A_262], %mul3A_261 {strides = array<i32>} : memref<768xf32, #tpu.memory_space<vmem>>, vector<16xf32>,
    %mul3A_264 = arith.constant 7.812500e-03 : f32
    %mul3A_265 = vector.broadcast %mul3A_264 : f32 to vector<16xf32>
    %mul3A_266 = arith.mulf %scan3A_257#1, %mul3A_265 : vector<16xf32>
    %swap3A_267 = arith.constant 528 : index
    %swap3A_268 = tpu.vector_load %arg11[%swap3A_267] {strides = array<i32>} : memref<768xf32, #tpu.memory_space<vmem>>, vector<16xf32>,
    tpu.vector_store %arg11[%swap3A_267], %mul3A_266 {strides = array<i32>} : memref<768xf32, #tpu.memory_space<vmem>>, vector<16xf32>,
    %mul3A_269 = arith.constant 7.812500e-03 : f32
    %mul3A_270 = vector.broadcast %mul3A_269 : f32 to vector<16xf32>
    %mul3A_271 = arith.mulf %scan3A_257#2, %mul3A_270 : vector<16xf32>
    %swap3A_272 = arith.constant 544 : index
    %swap3A_273 = tpu.vector_load %arg11[%swap3A_272] {strides = array<i32>} : memref<768xf32, #tpu.memory_space<vmem>>, vector<16xf32>,
    tpu.vector_store %arg11[%swap3A_272], %mul3A_271 {strides = array<i32>} : memref<768xf32, #tpu.memory_space<vmem>>, vector<16xf32>,
    %mul3A_274 = arith.constant 7.812500e-03 : f32
    %mul3A_275 = vector.broadcast %mul3A_274 : f32 to vector<16xf32>
    %mul3A_276 = arith.mulf %scan3A_257#3, %mul3A_275 : vector<16xf32>
    %swap3A_277 = arith.constant 560 : index
    %swap3A_278 = tpu.vector_load %arg11[%swap3A_277] {strides = array<i32>} : memref<768xf32, #tpu.memory_space<vmem>>, vector<16xf32>,
    tpu.vector_store %arg11[%swap3A_277], %mul3A_276 {strides = array<i32>} : memref<768xf32, #tpu.memory_space<vmem>>, vector<16xf32>,
    %mul3A_279 = arith.constant 7.812500e-03 : f32
    %mul3A_280 = vector.broadcast %mul3A_279 : f32 to vector<16xf32>
    %mul3A_281 = arith.mulf %scan3A_257#4, %mul3A_280 : vector<16xf32>
    %swap3A_282 = arith.constant 576 : index
    %swap3A_283 = tpu.vector_load %arg11[%swap3A_282] {strides = array<i32>} : memref<768xf32, #tpu.memory_space<vmem>>, vector<16xf32>,
    tpu.vector_store %arg11[%swap3A_282], %mul3A_281 {strides = array<i32>} : memref<768xf32, #tpu.memory_space<vmem>>, vector<16xf32>,
    %mul3A_284 = arith.constant 7.812500e-03 : f32
    %mul3A_285 = vector.broadcast %mul3A_284 : f32 to vector<16xf32>
    %mul3A_286 = arith.mulf %scan3A_257#5, %mul3A_285 : vector<16xf32>
    %swap3A_287 = arith.constant 592 : index
    %swap3A_288 = tpu.vector_load %arg11[%swap3A_287] {strides = array<i32>} : memref<768xf32, #tpu.memory_space<vmem>>, vector<16xf32>,
    tpu.vector_store %arg11[%swap3A_287], %mul3A_286 {strides = array<i32>} : memref<768xf32, #tpu.memory_space<vmem>>, vector<16xf32>,
    %mul3A_289 = arith.constant 7.812500e-03 : f32
    %mul3A_290 = vector.broadcast %mul3A_289 : f32 to vector<16xf32>
    %mul3A_291 = arith.mulf %scan3A_257#6, %mul3A_290 : vector<16xf32>
    %swap3A_292 = arith.constant 608 : index
    %swap3A_293 = tpu.vector_load %arg11[%swap3A_292] {strides = array<i32>} : memref<768xf32, #tpu.memory_space<vmem>>, vector<16xf32>,
    tpu.vector_store %arg11[%swap3A_292], %mul3A_291 {strides = array<i32>} : memref<768xf32, #tpu.memory_space<vmem>>, vector<16xf32>,
    %mul3A_294 = arith.constant 7.812500e-03 : f32
    %mul3A_295 = vector.broadcast %mul3A_294 : f32 to vector<16xf32>
    %mul3A_296 = arith.mulf %scan3A_257#7, %mul3A_295 : vector<16xf32>
    %swap3A_297 = arith.constant 624 : index
    %swap3A_298 = tpu.vector_load %arg11[%swap3A_297] {strides = array<i32>} : memref<768xf32, #tpu.memory_space<vmem>>, vector<16xf32>,
    tpu.vector_store %arg11[%swap3A_297], %mul3A_296 {strides = array<i32>} : memref<768xf32, #tpu.memory_space<vmem>>, vector<16xf32>,
    %mul3A_299 = arith.constant 7.812500e-03 : f32
    %mul3A_300 = vector.broadcast %mul3A_299 : f32 to vector<16xf32>
    %mul3A_301 = arith.mulf %scan3A_257#8, %mul3A_300 : vector<16xf32>
    %swap3A_302 = arith.constant 640 : index
    %swap3A_303 = tpu.vector_load %arg11[%swap3A_302] {strides = array<i32>} : memref<768xf32, #tpu.memory_space<vmem>>, vector<16xf32>,
    tpu.vector_store %arg11[%swap3A_302], %mul3A_301 {strides = array<i32>} : memref<768xf32, #tpu.memory_space<vmem>>, vector<16xf32>,
    %mul3A_304 = arith.constant 7.812500e-03 : f32
    %mul3A_305 = vector.broadcast %mul3A_304 : f32 to vector<16xf32>
    %mul3A_306 = arith.mulf %scan3A_257#9, %mul3A_305 : vector<16xf32>
    %swap3A_307 = arith.constant 656 : index
    %swap3A_308 = tpu.vector_load %arg11[%swap3A_307] {strides = array<i32>} : memref<768xf32, #tpu.memory_space<vmem>>, vector<16xf32>,
    tpu.vector_store %arg11[%swap3A_307], %mul3A_306 {strides = array<i32>} : memref<768xf32, #tpu.memory_space<vmem>>, vector<16xf32>,
    %mul3A_309 = arith.constant 7.812500e-03 : f32
    %mul3A_310 = vector.broadcast %mul3A_309 : f32 to vector<16xf32>
    %mul3A_311 = arith.mulf %scan3A_257#10, %mul3A_310 : vector<16xf32>
    %swap3A_312 = arith.constant 672 : index
    %swap3A_313 = tpu.vector_load %arg11[%swap3A_312] {strides = array<i32>} : memref<768xf32, #tpu.memory_space<vmem>>, vector<16xf32>,
    tpu.vector_store %arg11[%swap3A_312], %mul3A_311 {strides = array<i32>} : memref<768xf32, #tpu.memory_space<vmem>>, vector<16xf32>,
    %mul3A_314 = arith.constant 7.812500e-03 : f32
    %mul3A_315 = vector.broadcast %mul3A_314 : f32 to vector<16xf32>
    %mul3A_316 = arith.mulf %scan3A_257#11, %mul3A_315 : vector<16xf32>
    %swap3A_317 = arith.constant 688 : index
    %swap3A_318 = tpu.vector_load %arg11[%swap3A_317] {strides = array<i32>} : memref<768xf32, #tpu.memory_space<vmem>>, vector<16xf32>,
    tpu.vector_store %arg11[%swap3A_317], %mul3A_316 {strides = array<i32>} : memref<768xf32, #tpu.memory_space<vmem>>, vector<16xf32>,
    %mul3A_319 = arith.constant 7.812500e-03 : f32
    %mul3A_320 = vector.broadcast %mul3A_319 : f32 to vector<16xf32>
    %mul3A_321 = arith.mulf %scan3A_257#12, %mul3A_320 : vector<16xf32>
    %swap3A_322 = arith.constant 704 : index
    %swap3A_323 = tpu.vector_load %arg11[%swap3A_322] {strides = array<i32>} : memref<768xf32, #tpu.memory_space<vmem>>, vector<16xf32>,
    tpu.vector_store %arg11[%swap3A_322], %mul3A_321 {strides = array<i32>} : memref<768xf32, #tpu.memory_space<vmem>>, vector<16xf32>,
    %mul3A_324 = arith.constant 7.812500e-03 : f32
    %mul3A_325 = vector.broadcast %mul3A_324 : f32 to vector<16xf32>
    %mul3A_326 = arith.mulf %scan3A_257#13, %mul3A_325 : vector<16xf32>
    %swap3A_327 = arith.constant 720 : index
    %swap3A_328 = tpu.vector_load %arg11[%swap3A_327] {strides = array<i32>} : memref<768xf32, #tpu.memory_space<vmem>>, vector<16xf32>,
    tpu.vector_store %arg11[%swap3A_327], %mul3A_326 {strides = array<i32>} : memref<768xf32, #tpu.memory_space<vmem>>, vector<16xf32>,
    %mul3A_329 = arith.constant 7.812500e-03 : f32
    %mul3A_330 = vector.broadcast %mul3A_329 : f32 to vector<16xf32>
    %mul3A_331 = arith.mulf %scan3A_257#14, %mul3A_330 : vector<16xf32>
    %swap3A_332 = arith.constant 736 : index
    %swap3A_333 = tpu.vector_load %arg11[%swap3A_332] {strides = array<i32>} : memref<768xf32, #tpu.memory_space<vmem>>, vector<16xf32>,
    tpu.vector_store %arg11[%swap3A_332], %mul3A_331 {strides = array<i32>} : memref<768xf32, #tpu.memory_space<vmem>>, vector<16xf32>,
    %mul3A_334 = arith.constant 7.812500e-03 : f32
    %mul3A_335 = vector.broadcast %mul3A_334 : f32 to vector<16xf32>
    %mul3A_336 = arith.mulf %scan3A_257#15, %mul3A_335 : vector<16xf32>
    %swap3A_337 = arith.constant 752 : index
    %swap3A_338 = tpu.vector_load %arg11[%swap3A_337] {strides = array<i32>} : memref<768xf32, #tpu.memory_space<vmem>>, vector<16xf32>,
    tpu.vector_store %arg11[%swap3A_337], %mul3A_336 {strides = array<i32>} : memref<768xf32, #tpu.memory_space<vmem>>, vector<16xf32>,
    "tpu.trace_stop"() : () -> ()
    "tpu.region"() ({
      %run_scoped3A = tpu.sem_alloc : memref<!tpu.dma_semaphore, #tpu.memory_space<semaphore_mem>>
      %dma_start3A_343 = arith.constant 0 : i32
      %dma_start3A_344 = tpu.memref_slice %arg5[%add3A, %dma_start3A_343] : memref<32x768xf32, #tpu.memory_space<hbm>> -> memref<1x768xf32, #tpu.memory_space<hbm>>
      %dma_start3A_345 = tpu.memref_squeeze %dma_start3A_344 : memref<1x768xf32, #tpu.memory_space<hbm>> -> memref<768xf32, #tpu.memory_space<hbm>>
      %dma_start3A_346 = arith.constant 0 : i32
      %dma_start3A_347 = tpu.memref_slice %arg5[%add3A, %dma_start3A_346] : memref<32x768xf32, #tpu.memory_space<hbm>> -> memref<1x768xf32, #tpu.memory_space<hbm>>
      %dma_start3A_348 = tpu.memref_squeeze %dma_start3A_347 : memref<1x768xf32, #tpu.memory_space<hbm>> -> memref<768xf32, #tpu.memory_space<hbm>>
      tpu.enqueue_dma source(%arg11 : memref<768xf32, #tpu.memory_space<vmem>>) target(%dma_start3A_348 : memref<768xf32, #tpu.memory_space<hbm>>) target_semaphore(%run_scoped3A : memref<!tpu.dma_semaphore, #tpu.memory_space<semaphore_mem>>)
      %dma_wait3A_349 = arith.constant 0 : i32
      %dma_wait3A_350 = tpu.memref_slice %arg5[%add3A, %dma_wait3A_349] : memref<32x768xf32, #tpu.memory_space<hbm>> -> memref<1x768xf32, #tpu.memory_space<hbm>>
      %dma_wait3A_351 = tpu.memref_squeeze %dma_wait3A_350 : memref<1x768xf32, #tpu.memory_space<hbm>> -> memref<768xf32, #tpu.memory_space<hbm>>
      %dma_wait3A_352 = arith.constant 0 : i32
      %dma_wait3A_353 = tpu.memref_slice %arg5[%add3A, %dma_wait3A_352] : memref<32x768xf32, #tpu.memory_space<hbm>> -> memref<1x768xf32, #tpu.memory_space<hbm>>
      %dma_wait3A_354 = tpu.memref_squeeze %dma_wait3A_353 : memref<1x768xf32, #tpu.memory_space<hbm>> -> memref<768xf32, #tpu.memory_space<hbm>>
      tpu.wait_dma2 semaphore(%run_scoped3A : memref<!tpu.dma_semaphore, #tpu.memory_space<semaphore_mem>>) src(%arg11 : memref<768xf32, #tpu.memory_space<vmem>>) dst(%dma_wait3A_354 : memref<768xf32, #tpu.memory_space<hbm>>)
      tpu.yield
    }) : () -> ()
    "tpu.trace_start"() <{level = 10 : i32, message = "ph_mtwait"}> : () -> ()
    %dma_wait3A_339 = arith.constant 0 : i32
    %dma_wait3A_340 = tpu.memref_slice %arg6[%mul3A_71, %dma_wait3A_339] : memref<1024x1008xf32, #tpu.memory_space<hbm>> -> memref<32x1008xf32, #tpu.memory_space<hbm>>
    %dma_wait3A_341 = arith.constant 0 : i32
    %dma_wait3A_342 = tpu.memref_slice %arg6[%mul3A_71, %dma_wait3A_341] : memref<1024x1008xf32, #tpu.memory_space<hbm>> -> memref<32x1008xf32, #tpu.memory_space<hbm>>
    tpu.wait_dma2 semaphore(%arg17 : memref<!tpu.dma_semaphore, #tpu.memory_space<semaphore_mem>>) src(%arg14 : memref<32x1008xf32, #tpu.memory_space<vmem>>) dst(%dma_wait3A_342 : memref<32x1008xf32, #tpu.memory_space<hbm>>)
    "tpu.trace_stop"() : () -> ()
    return
  }
}

module attributes {stable_mosaic.version = 14 : i64} {
  func.func @_tc_body(%arg0: memref<32x768xf32, #tpu.memory_space<vmem>>, %arg1: memref<1024x1008xf32, #tpu.memory_space<vmem>>, %arg2: memref<1000x1024xf32, #tpu.memory_space<vmem>>, %arg3: memref<2x256xf32, #tpu.memory_space<vmem>>, %arg4: memref<1024x1024xf32, #tpu.memory_space<vmem>>, %arg5: memref<1024xf32, #tpu.memory_space<vmem>>, %arg6: memref<1024x1000xf32, #tpu.memory_space<vmem>>, %arg7: memref<1000xf32, #tpu.memory_space<vmem>>, %arg8: memref<1032x1000xf32, #tpu.memory_space<vmem>>) attributes {dimension_semantics = [], scalar_prefetch = 0 : i64, scratch_operands = 0 : i64, tpu.core_type = #tpu.core_type<tc>} {
    %get3A = arith.constant 0 : index
    %get3A_0 = arith.constant 0 : index
    %get3A_1 = vector.load %arg0[%get3A, %get3A_0] : memref<32x768xf32, #tpu.memory_space<vmem>>, vector<32x768xf32>
    %get3A_2 = arith.constant 1 : index
    %get3A_3 = arith.constant 0 : index
    %get3A_4 = vector.load %arg3[%get3A_2, %get3A_3] : memref<2x256xf32, #tpu.memory_space<vmem>>, vector<1x256xf32>
    %get3A_5 = vector.shape_cast %get3A_4 : vector<1x256xf32> to vector<256xf32>
    %broadcast_in_dim3A = vector.shape_cast %get3A_5 : vector<256xf32> to vector<1x256xf32>
    %broadcast_in_dim3A_6 = vector.shape_cast %broadcast_in_dim3A : vector<1x256xf32> to vector<1x256xf32>
    %broadcast_in_dim3A_7 = vector.broadcast %broadcast_in_dim3A_6 : vector<1x256xf32> to vector<32x256xf32>
    %concatenate3A = tpu.concatenate %get3A_1, %broadcast_in_dim3A_7 in 1 : vector<32x768xf32>, vector<32x256xf32> -> vector<32x1024xf32>
    %reduce_sum3A = arith.constant dense<0.000000e+00> : vector<1024xf32>
    %reduce_sum3A_8 = vector.multi_reduction <add>, %concatenate3A, %reduce_sum3A [0] : vector<32x1024xf32> to vector<1024xf32>
    %get3A_9 = arith.constant 0 : index
    %get3A_10 = arith.constant 0 : index
    %get3A_11 = vector.load %arg2[%get3A_9, %get3A_10] : memref<1000x1024xf32, #tpu.memory_space<vmem>>, vector<1000x1024xf32>
    %reduce_sum3A_12 = arith.constant dense<0.000000e+00> : vector<1024xf32>
    %reduce_sum3A_13 = vector.multi_reduction <add>, %get3A_11, %reduce_sum3A_12 [0] : vector<1000x1024xf32> to vector<1024xf32>
    %get3A_14 = arith.constant 0 : index
    %get3A_15 = arith.constant 0 : index
    %get3A_16 = vector.load %arg1[%get3A_14, %get3A_15] : memref<1024x1008xf32, #tpu.memory_space<vmem>>, vector<1024x1008xf32>
    %slice3A = vector.extract_strided_slice %get3A_16 {offsets = [0, 0], sizes = [1000, 1008], strides = [1, 1]} : vector<1024x1008xf32> to vector<1000x1008xf32>
    %convert_element_type3A = arith.truncf %slice3A : vector<1000x1008xf32> to vector<1000x1008xbf16>
    %convert_element_type3A_17 = arith.truncf %get3A_11 : vector<1000x1024xf32> to vector<1000x1024xbf16>
    %dot_general3A = arith.constant dense<0.000000e+00> : vector<1008x1024xf32>
    %dot_general3A_18 = tpu.matmul %convert_element_type3A, %convert_element_type3A_17, %dot_general3A {dimension_numbers = #tpu.dot_dimension_numbers<[0], [0], [1], [1], [0, 1, 1, 1], [], []>, transpose_lhs_hint = false} : vector<1000x1008xbf16>, vector<1000x1024xbf16>, vector<1008x1024xf32> -> vector<1008x1024xf32>
    %slice3A_19 = vector.extract_strided_slice %dot_general3A_18 {offsets = [0, 0], sizes = [1000, 1024], strides = [1, 1]} : vector<1008x1024xf32> to vector<1000x1024xf32>
    %get3A_20 = arith.constant 0 : index
    %get3A_21 = arith.constant 0 : index
    %get3A_22 = vector.load %arg4[%get3A_20, %get3A_21] : memref<1024x1024xf32, #tpu.memory_space<vmem>>, vector<1024x1024xf32>
    %convert_element_type3A_23 = arith.truncf %get3A_22 : vector<1024x1024xf32> to vector<1024x1024xbf16>
    %get3A_24 = arith.constant 0 : index
    %get3A_25 = arith.constant 0 : index
    %get3A_26 = vector.load %arg6[%get3A_24, %get3A_25] : memref<1024x1000xf32, #tpu.memory_space<vmem>>, vector<1024x1000xf32>
    %convert_element_type3A_27 = arith.truncf %get3A_26 : vector<1024x1000xf32> to vector<1024x1000xbf16>
    %get3A_28 = arith.constant 0 : index
    %get3A_29 = vector.load %arg5[%get3A_28] : memref<1024xf32, #tpu.memory_space<vmem>>, vector<1024xf32>
    %broadcast_in_dim3A_30 = vector.shape_cast %get3A_29 : vector<1024xf32> to vector<1x1024xf32>
    %get3A_31 = arith.constant 0 : index
    %get3A_32 = vector.load %arg7[%get3A_31] : memref<1000xf32, #tpu.memory_space<vmem>>, vector<1000xf32>
    %broadcast_in_dim3A_33 = vector.shape_cast %get3A_32 : vector<1000xf32> to vector<1x1000xf32>
    %broadcast_in_dim3A_34 = vector.shape_cast %reduce_sum3A_8 : vector<1024xf32> to vector<1x1024xf32>
    %add3A = vector.broadcast %broadcast_in_dim3A_34 : vector<1x1024xf32> to vector<1000x1024xf32>
    %add3A_35 = arith.addf %slice3A_19, %add3A : vector<1000x1024xf32>
    %convert_element_type3A_36 = arith.truncf %add3A_35 : vector<1000x1024xf32> to vector<1000x1024xbf16>
    %dot_general3A_37 = arith.constant dense<0.000000e+00> : vector<1000x1024xf32>
    %dot_general3A_38 = tpu.matmul %convert_element_type3A_36, %convert_element_type3A_23, %dot_general3A_37 {dimension_numbers = #tpu.dot_dimension_numbers<[1], [0], [0], [1], [0, 0, 1, 1], [], []>, transpose_lhs_hint = false} : vector<1000x1024xbf16>, vector<1024x1024xbf16>, vector<1000x1024xf32> -> vector<1000x1024xf32>
    %add3A_39 = vector.broadcast %broadcast_in_dim3A_30 : vector<1x1024xf32> to vector<1000x1024xf32>
    %add3A_40 = arith.addf %dot_general3A_38, %add3A_39 : vector<1000x1024xf32>
    %max3A = arith.constant 0.000000e+00 : f32
    %max3A_41 = vector.broadcast %max3A : f32 to vector<1000x1024xf32>
    %max3A_42 = arith.maximumf %add3A_40, %max3A_41 : vector<1000x1024xf32>
    %broadcast_in_dim3A_43 = vector.shape_cast %reduce_sum3A_13 : vector<1024xf32> to vector<1x1024xf32>
    %add3A_44 = vector.broadcast %broadcast_in_dim3A_43 : vector<1x1024xf32> to vector<32x1024xf32>
    %add3A_45 = arith.addf %concatenate3A, %add3A_44 : vector<32x1024xf32>
    %convert_element_type3A_46 = arith.truncf %add3A_45 : vector<32x1024xf32> to vector<32x1024xbf16>
    %dot_general3A_47 = arith.constant dense<0.000000e+00> : vector<32x1024xf32>
    %dot_general3A_48 = tpu.matmul %convert_element_type3A_46, %convert_element_type3A_23, %dot_general3A_47 {dimension_numbers = #tpu.dot_dimension_numbers<[1], [0], [0], [1], [0, 0, 1, 1], [], []>, transpose_lhs_hint = false} : vector<32x1024xbf16>, vector<1024x1024xbf16>, vector<32x1024xf32> -> vector<32x1024xf32>
    %add3A_49 = vector.broadcast %broadcast_in_dim3A_30 : vector<1x1024xf32> to vector<32x1024xf32>
    %add3A_50 = arith.addf %dot_general3A_48, %add3A_49 : vector<32x1024xf32>
    %max3A_51 = arith.constant 0.000000e+00 : f32
    %max3A_52 = vector.broadcast %max3A_51 : f32 to vector<32x1024xf32>
    %max3A_53 = arith.maximumf %add3A_50, %max3A_52 : vector<32x1024xf32>
    %convert_element_type3A_54 = arith.truncf %max3A_42 : vector<1000x1024xf32> to vector<1000x1024xbf16>
    %dot_general3A_55 = arith.constant dense<0.000000e+00> : vector<1000x1000xf32>
    %dot_general3A_56 = tpu.matmul %convert_element_type3A_54, %convert_element_type3A_27, %dot_general3A_55 {dimension_numbers = #tpu.dot_dimension_numbers<[1], [0], [0], [1], [0, 0, 1, 1], [], []>, transpose_lhs_hint = false} : vector<1000x1024xbf16>, vector<1024x1000xbf16>, vector<1000x1000xf32> -> vector<1000x1000xf32>
    %add3A_57 = vector.broadcast %broadcast_in_dim3A_33 : vector<1x1000xf32> to vector<1000x1000xf32>
    %add3A_58 = arith.addf %dot_general3A_56, %add3A_57 : vector<1000x1000xf32>
    %swap3A = arith.constant 0 : index
    %swap3A_59 = arith.constant 0 : index
    %swap3A_60 = vector.load %arg8[%swap3A, %swap3A_59] : memref<1032x1000xf32, #tpu.memory_space<vmem>>, vector<1000x1000xf32>
    tpu.vector_store %arg8[%swap3A, %swap3A_59], %add3A_58 {strides = array<i32>} : memref<1032x1000xf32, #tpu.memory_space<vmem>>, vector<1000x1000xf32>,
    %convert_element_type3A_61 = arith.truncf %max3A_53 : vector<32x1024xf32> to vector<32x1024xbf16>
    %dot_general3A_62 = arith.constant dense<0.000000e+00> : vector<32x1000xf32>
    %dot_general3A_63 = tpu.matmul %convert_element_type3A_61, %convert_element_type3A_27, %dot_general3A_62 {dimension_numbers = #tpu.dot_dimension_numbers<[1], [0], [0], [1], [0, 0, 1, 1], [], []>, transpose_lhs_hint = false} : vector<32x1024xbf16>, vector<1024x1000xbf16>, vector<32x1000xf32> -> vector<32x1000xf32>
    %add3A_64 = vector.broadcast %broadcast_in_dim3A_33 : vector<1x1000xf32> to vector<32x1000xf32>
    %add3A_65 = arith.addf %dot_general3A_63, %add3A_64 : vector<32x1000xf32>
    %swap3A_66 = arith.constant 1000 : index
    %swap3A_67 = arith.constant 0 : index
    %swap3A_68 = vector.load %arg8[%swap3A_66, %swap3A_67] : memref<1032x1000xf32, #tpu.memory_space<vmem>>, vector<32x1000xf32>
    tpu.vector_store %arg8[%swap3A_66, %swap3A_67], %add3A_65 {strides = array<i32>} : memref<1032x1000xf32, #tpu.memory_space<vmem>>, vector<32x1000xf32>,
    return
  }
}

</mosaic_0001>

<sc_bundles>
// kernel: kernel.4.cloned.1.call-start
scs
__scs_entry_jumppad:
0x0: {  	(pc) =	sbr.rel $0x88, $3  }
0x1: {  	(tag) =	ssettag $0x0;
	lr =	simm.s32 $0x1  }
0x2: {  	[smem:$0x3F98] =	sst lr;
	_ =	strace $0xD0000000  }
0x3: {  	_ = 	snop  }
0x4: {  	_ = 	snop  }
0x5: {  	_ = 	snop  }
0x6: {  	_ = 	snop  }
0x7: {  	_ = 	snop  }
__scs_overlays_trampoline_lowered:
0x8: {  	[smem:$0x3FA7] =	sst s0  }
0x9: {  	[smem:$0x3FA8] =	sst s1  }
0xa: {  	[smem:$0x3FA9] =	sst s2  }
0xb: {  	[smem:$0x3FAA] =	sst s3  }
0xc: {  	[smem:$0x3FAB] =	sst s4  }
0xd: {  	[smem:$0x3FAC] =	sst s5  }
0xe: {  	[smem:$0x3FAD] =	sst s6  }
0xf: {  	[smem:$0x3FAE] =	sst s7  }
0x10: {  	[smem:$0x3FAF] =	sst s8  }
0x11: {  	[smem:$0x3FB0] =	sst s9;
	s0 =	simm.s32 @!p0 $0x0  }
0x12: {  	s1 =	sld [smem:$0x3F96];
	s0 =	simm.s32 @p0 $0x1  }
0x13: {  	[smem:$0x3FB1] =	sst s0;
	s0 =	simm.s32 @!p1 $0x0  }
0x14: {  	s2 =	sld [smem:$0x3F95];
	s0 =	simm.s32 @p1 $0x1  }
0x15: {  	[smem:$0x3FB2] =	sst s0;
	s0 =	simm.s32 @!p2 $0x0  }
0x16: {  	s3 =	sld [smem:$0x3FDB];
	s0 =	simm.s32 @p2 $0x1  }
0x17: {  	s4 =	simm.s32 $0x1BF5;
	[smem:$0x3FB4] =	sst s0  }
0x18: {  	s0 =	sld [smem:$0x3F97];
	_ =	swait.ge [sflag:s4], $0x0  }
0x19: {  	s7 =	sld [smem:$0x3F98]  }
0x1a: {  	s8 =	sadd.s32 $0xFFFFE003, lr  }
0x1b: {  	s9 =	sadd.s32 $0xFFFFFEF7, lr;
	s5 =	simm.s32 $0xFFFFFFFF;
	p2 =	slt.u32 s8, $0xFFFFF086  }
0x1c: {  	p1 =	slt.u32 s9, $0xF7A;
	s5 =	simm.s32 @!p2 $0x0  }
0x1d: {  	s5 =	simm.s32 @p1 $0x1;
	p0 =	seq.s32 s7, s2  }
0x1e: {  	s7 =	smul.u32 @!p0 $0xF7A, s2;
	p2 =	seq.s32 @!p0 s5, $0x0  }
0x1f: {  	s9 =	smul.u32 $0xF7A, s1;
	s8 =	simm.s32 @!p0 $0x1BF5;
	p2 =	por !p2, p0  }
0x20: {  	[sflag:s8] =	ssyncset.s32 @!p0 $0xFFFFF086;
	s6 =	sadd.s32 @!p0 s3, s7;
	s7 =	simm.s32 @!p0 $0x108  }
0x21: {  	s3 =	sadd.s32 s3, s9;
	s6 =	sadd.s32 @!p0 $0x88, s6;
	s7 =	simm.s32 @p2 $0x1082  }
0x22: {  	[simem:s7], [sflag:s8] =	dma.local @!p0 [hbm:s6], $0xF7A  }
0x23: {  	s9 =	sor.u32 $0xD0000000, s2;
	s6 =	simm.s32 $0x108;
	_ =	swait.ge @!p0 [sflag:s8], $0x0  }
0x24: {  	s3 =	sadd.s32 $0x88, s3;
	s6 =	simm.s32 @!p1 $0x1082;
	[sflag:s4] =	ssyncset.s32 $0xFFFFF086  }
0x25: {  	[simem:s6], [sflag:s4] =	dma.local [hbm:s3], $0xF7A  }
0x26: {  	[smem:$0x3F98] =	sst s1;
	(tag) =	ssettag s2;
	_ =	strace s9  }
0x27: {  	s1 =	sld [smem:$0x3FA8]  }
0x28: {  	s2 =	sld [smem:$0x3FA9]  }
0x29: {  	s4 =	sld [smem:$0x3FAB]  }
0x2a: {  	p0 =	seq.s32 s5, $0x0;
	s5 =	sld [smem:$0x3FAC]  }
0x2b: {  	s6 =	sld [smem:$0x3FAD]  }
0x2c: {  	s7 =	sld [smem:$0x3FAE]  }
0x2d: {  	s3 =	simm.s32 $0x108;
	s8 =	sld [smem:$0x3FAF]  }
0x2e: {  	s3 =	simm.s32 @!p0 $0x1082;
	s9 =	sld [smem:$0x3FB0]  }
0x2f: {  	lr =	sadd.s32 s0, s3;
	s0 =	sld [smem:$0x3FA7]  }
0x30: {  	s3 =	sld [smem:$0x3FAA]  }
0x31: {  	[smem:$0x3FB3] =	sst s10  }
0x32: {  	s10 =	sld [smem:$0x3FB1];
	_ =	sdelay $0x3  }
0x33: {  	p0 =	seq.s32 s10, $0x1;
	s10 =	sld [smem:$0x3FB3];
	_ =	sdelay $0x3  }
0x34: {  	[smem:$0x3FB3] =	sst s10  }
0x35: {  	s10 =	sld [smem:$0x3FB2];
	_ =	sdelay $0x3  }
0x36: {  	p1 =	seq.s32 s10, $0x1;
	s10 =	sld [smem:$0x3FB3];
	_ =	sdelay $0x3  }
0x37: {  	[smem:$0x3FB3] =	sst s10  }
0x38: {  	s10 =	sld [smem:$0x3FB4]  }
0x39: {  	_ = 	snop;
	(pc) =	sbr.ind lr, $3  }
0x3a: {  	_ = 	snop  }
0x3b: {  	_ = 	snop  }
0x3c: {  	p2 =	seq.s32 s10, $0x1;
	s10 =	sld [smem:$0x3FB3]  }
0x3d: {  	_ =	shalt  }
0x3e: {  	_ =	shalt  }
0x3f: {  	_ =	shalt  }
0x40: {  	_ =	shalt  }
0x41: {  	_ =	shalt  }
0x42: {  	_ =	shalt  }
0x43: {  	_ =	shalt  }
0x44: {  	_ =	shalt  }
0x45: {  	_ =	shalt  }
0x46: {  	_ =	shalt  }
0x47: {  	_ =	shalt  }
0x48: {  	_ =	shalt  }
0x49: {  	_ =	shalt  }
0x4a: {  	_ =	shalt  }
0x4b: {  	_ =	shalt  }
0x4c: {  	_ =	shalt  }
0x4d: {  	_ =	shalt  }
0x4e: {  	_ =	shalt  }
0x4f: {  	_ =	shalt  }
0x50: {  	_ =	shalt  }
0x51: {  	_ =	shalt  }
0x52: {  	_ =	shalt  }
0x53: {  	_ =	shalt  }
0x54: {  	_ =	shalt  }
0x55: {  	_ =	shalt  }
0x56: {  	_ =	shalt  }
0x57: {  	_ =	shalt  }
0x58: {  	_ =	shalt  }
0x59: {  	_ =	shalt  }
0x5a: {  	_ =	shalt  }
0x5b: {  	_ =	shalt  }
0x5c: {  	_ =	shalt  }
0x5d: {  	_ =	shalt  }
0x5e: {  	_ =	shalt  }
0x5f: {  	_ =	shalt  }
0x60: {  	_ =	shalt  }
0x61: {  	_ =	shalt  }
0x62: {  	_ =	shalt  }
0x63: {  	_ =	shalt  }
0x64: {  	_ =	shalt  }
0x65: {  	_ =	shalt  }
0x66: {  	_ =	shalt  }
0x67: {  	_ =	shalt  }
0x68: {  	_ =	shalt  }
0x69: {  	_ =	shalt  }
0x6a: {  	_ =	shalt  }
0x6b: {  	_ =	shalt  }
0x6c: {  	_ =	shalt  }
0x6d: {  	_ =	shalt  }
0x6e: {  	_ =	shalt  }
0x6f: {  	_ =	shalt  }
0x70: {  	_ =	shalt  }
0x71: {  	_ =	shalt  }
0x72: {  	_ =	shalt  }
0x73: {  	_ =	shalt  }
0x74: {  	_ =	shalt  }
0x75: {  	_ =	shalt  }
0x76: {  	_ =	shalt  }
0x77: {  	_ =	shalt  }
0x78: {  	_ =	shalt  }
0x79: {  	_ =	shalt  }
0x7a: {  	_ =	shalt  }
0x7b: {  	_ =	shalt  }
0x7c: {  	_ =	shalt  }
0x7d: {  	_ =	shalt  }
0x7e: {  	_ =	shalt  }
0x7f: {  	_ =	shalt  }
0x80: {  	_ =	shalt  }
0x81: {  	_ =	shalt  }
0x82: {  	_ =	shalt  }
0x83: {  	_ =	shalt  }
0x84: {  	_ =	shalt  }
0x85: {  	_ =	shalt  }
0x86: {  	_ =	shalt  }
0x87: {  	_ =	shalt  }
.Lfunc_end0:
.L_simem_size_0:
called_computation_lowered:
.L_overlay_start_0:
0x88: {  	s2 =	sld [smem:$0x3FD9]  }
0x89: {  	s3 =	sld [smem:$0x3FFE];
	_ =	sdelay $0x1  }
0x8a: {  	s1 =	srdreg.scid  }
0x8b: {  	s0 =	sand.u32 $0x1, s1  }
0x8c: {  	s17 =	sshll.u32 s0, $0xA;
	s2 =	sadd.s32 s3, s2  }
0x8d: {  	s2 =	sadd.s32 s2, s17  }
0x8e: {  	[smem:$0x3FBF] =	sst s2  }
0x8f: {  	_ = 	snop  }
0x90: {  	s2 =	sld [smem:$0x3FC9]  }
0x91: {  	s18 =	sld [smem:$0x3FC8]  }
0x92: {  	s4 =	sld [smem:$0x3FC5]  }
0x93: {  	s5 =	sld [smem:$0x3FD0];
	(tm) =	ssettm $0x1  }
0x94: {  	s6 =	sld [smem:$0x3FFB];
	_ =	sdelay $0x3  }
0x95: {  	_ =	strace s6  }
0x96: {  	s6 =	sld [smem:$0x3FFC];
	_ =	sdelay $0x3  }
0x97: {  	_ =	strace s6  }
0x98: {  	s6 =	sld [smem:$0x3FFD];
	_ =	sdelay $0x3  }
0x99: {  	_ =	strace s6  }
0x9a: {  	_ =	strace $0x8FFFFFFF  }
0x9b: {  	s19 =	sld [smem:$0x3FDB];
	_ =	sdelay $0x1  }
0x9c: {  	s7 =	simm.s32 $_scs_section_size  }
0x9d: {  	s8 =	simm.s32 $_size__tile_overlayer_lowered;
	s9 =	simm.s32 $_tile_overlayer_lowered  }
0x9e: {  	s22 =	simm.s32 $0x1BFF;
	s21 =	sshll.u32 s9, $0x1;
	s6 =	sadd.s32 s7, s19  }
0x9f: {  	s10 =	simm.s32 $0x0;
	s20 =	sshll.u32 s8, $0x1;
	s8 =	sadd.s32 s21, s6  }
0xa0: {  	[timem:s10], [sflag:s22] =	dma.local [hbm:s8], s20  }
0xa1: {  	_ =	swait.ge [sflag:s22], s20  }
0xa2: {  	s7 =	ssub.s32 $0x0, s20;
	[sflag:s22] =	ssyncset.done $0x0  }
0xa3: {  	[sflag:s22] =	ssyncadd.s32 s7;
	_ =	sdelay $0x1  }
0xa4: {  	s23 =	simm.s32 $0x1B8B  }
0xa5: {  	_ =	swait.ge [sflag:s23], $0x1  }
0xa6: {  	[sflag:s23] =	ssyncset.done $0x0  }
0xa7: {  	s25 =	simm.s32 $0x1B8E;
	s24 =	sld [smem:$0x3FFE];
	[sflag:s23] =	ssyncadd.s32 $0xFFFFFFFF  }
0xa8: {  	s26 =	simm.s32 $execute0_lowered;
	[smem:$0x3FD2] =	sst s25  }
0xa9: {  	s8 =	sshll.u32 s26, $0x1;
	_ =	strace $0x80000046;
	[dreg:$0x1] =	wrdreg $0xFFFFFFFF  }
0xaa: {  	s28 =	simm.s32 $_size_execute0_lowered;
	s6 =	sadd.s32 s6, s8;
	[dreg:$0x0] =	wrdreg $0x0  }
0xab: {  	s8 =	sshll.u32 s28, $0x1;
	[dreg:$0x2] =	wrdreg s6  }
0xac: {  	[dreg:$0x3] =	wrdreg s8  }
0xad: {  	[dreg:$0x4] =	wrdreg $0xC0  }
0xae: {  	_ =	task [dreg:s10], $0x5FFFF  }
0xaf: {  	[dreg:$0x1] =	wrdreg $0xFFFFFFFF  }
0xb0: {  	[dreg:$0x0] =	wrdreg $0x60  }
0xb1: {  	[dreg:$0x2] =	wrdreg s2  }
0xb2: {  	[dreg:$0x3] =	wrdreg s18  }
0xb3: {  	[dreg:$0x4] =	wrdreg s4  }
0xb4: {  	[dreg:$0x5] =	wrdreg s24  }
0xb5: {  	[dreg:$0x6] =	wrdreg s5  }
0xb6: {  	[dreg:$0x7] =	wrdreg $0x9  }
0xb7: {  	_ =	task.clear_ibuf [dreg:s10], $0x8FFFF;
	_ =	strace $0x90000046  }
0xb8: {  	s29 =	simm.s32 $0x9;
	_ =	strace $0x80000051  }
0xb9: {  	_ =	swait.ge [sflag:s29], $0x1  }
0xba: {  	[sflag:s29] =	ssyncadd.s32 $0xFFFFFFFF  }
0xbb: {  	_ =	strace $0x90000051  }
0xbc: {  	_ =	sfence  }
0xbd: {  	s30 =	sld [smem:$0x0];
	_ =	sdelay $0x2  }
0xbe: {  	s31 =	sshll.u32 s1, $0xD;
	s1 =	sshrl.u32 s1, $0x2  }
0xbf: {  	s3 =	sand.u32 $0x4000, s31;
	s1 =	sadd.s32 s1, s30  }
0xc0: {  	s0 =	sor.u32 s3, s0;
	s1 =	sshll.u32 s1, $0x11  }
0xc1: {  	s0 =	sor.u32 s1, s0  }
0xc2: {  	s0 =	sadd.s32 $0x8F2B, s0  }
0xc3: {  	[sflag:s0] =	ssyncadd.remote.s32 $0x1  }
0xc4: {  	_ =	sfence.sel $0xFFFF  }
0xc5: {  	[dreg:$0x0] =	wrdreg $0xFFFFFFFF;
	(pc) =	sbr.abs _section_cstart, $3  }
0xc6: {  	[dreg:$0x1] =	wrdreg $0xFFFFFFFF  }
0xc7: {  	_ =	task.clear_ibuf [dreg:s10], $0x2FFFF;
	_ =	strace $0x9FFFFFFF  }
0xc8: {  	(tm) =	ssettm $0x7FFFFFFF  }
0xc9: {  	_ =	shalt  }
tec
execute0_lowered:
.L_overlay_start_1:
0x0: {  	(tag) =	ssettag $0x1  }
0x1: {  	s0 =	rddreg [dreg:$0x0]  }
0x2: {  	s1 =	rddreg [dreg:$0x1]  }
0x3: {  	s9 =	rddreg [dreg:$0x2]  }
0x4: {  	s2 =	rddreg [dreg:$0x3];
	s3 =	srdreg.scid  }
0x5: {  	s6 =	stileid.u32;
	s5 =	rddreg [dreg:$0x4];
	s15 =	simm.s32 $0x80  }
0x6: {  	s16 =	simm.s32 $0x100;
	s19 =	simm.s32 $0x4;
	s31 =	simm.s32 $0x900  }
0x7: {  	s17 =	simm.s32 $0x7900;
	s18 =	simm.s32 $0x8100;
	s20 =	simm.s32 $0x8900  }
0x8: {  	s21 =	simm.s32 $0x9900;
	s28 =	simm.s32 $0x2;
	s11 =	simm.s32 $0x0  }
0x9: {  	s3 =	sand.u32 $0x1, s3;
	s4 =	sshll.u32 s6, $0x1;
	s6 =	sshrl.u32 s6, $0x2  }
0xa: {  	s23 =	sadd.s32 $0x10, s9;
	s9 =	simm.s32 $0x3;
	s10 =	sor.u32 s3, s4  }
0xb: {  	s4 =	simm.s32 $0x0;
	s8 =	smul.u32 $0x1800, s6;
	s3 =	ssub.s32 $0x2, s3  }
0xc: {  	s6 =	sshll.u32 s6, $0xA;
	s7 =	sshll.u32 s10, $0x7;
	[smem:$0x7FF] =	sst s4  }
0xd: {  	s22 =	sshrl.u32 s3, $0x1;
	s25 =	sshll.u32 s10, $0xC;
	v0 =	vmov s10;
	s10 =	simm.s32 $0x1  }
0xe: {  	s7 =	sand.u32 $0x380, s7;
	_ =	strace $0x80000047;
	s3 =	ssub.s32 s3, s22  }
0xf: {  	[dreg:$0x6] =	wrdreg s23;
	s22 =	simm.s32 $0xA100;
	s6 =	sor.u32 s6, s7  }
0x10: {  	s23 =	simm.s32 $0xA900;
	s8 =	sor.u32 s8, s7;
	s6 =	sshrl.u32 s6, $0x3  }
0x11: {  	s7 =	sadd.s32 $0x100, s1;
	s30 =	smax.u32 s3, $0x1;
	s6 =	sadd.s32 s0, s6  }
0x12: {  	s3 =	simm.s32 $0x6100;
	[dreg:$0xc] =	wrdreg s30;
	s0 =	sadd.s32 $0x4, s6  }
0x13: {  	s8 =	sshrl.u32 s8, $0x3;
	s24 =	sadd.s32 $0x8, s6;
	[dreg:$0x7] =	wrdreg s0  }
0x14: {  	s2 =	sadd.s32 s8, s2;
	s26 =	sadd.s32 $0xC, s6;
	[dreg:$0x8] =	wrdreg s24  }
0x15: {  	s8 =	sadd.s32 $0x200, s1;
	s29 =	sadd.s32 $0x1800, s2;
	[dreg:$0x9] =	wrdreg s26  }
0x16: {  	v3 =	vlaneseq.u32;
	s2 =	simm.s32 $0x7100;
	s0 =	sadd.s32 s5, s25;
	[dreg:$0xb] =	wrdreg s29  }
0x17: {  	vm0 =	vmmov $0xffff;
	v4 =	vimm.f32 $0.0e+00;
	v2 =	vshrl.u32 v3, $0x3;
	s5 =	simm.s32 $0x9100;
	s24 =	simm.s32 $0xB100;
	s25 =	simm.s32 $0xB900  }
0x18: {  	v1 =	vand.u32 $0x7, v3;
	v3 =	vor.u32 $0x8, v3;
	v2 =	vmul.u32 $0x8, v2;
	s26 =	simm.s32 $0xE400;
	[dreg:$0xa] =	wrdreg s0;
	s0 =	simm.s32 $0x6900  }
.LBB2_1:
0x19: {  	s12 =	rddreg [dreg:$0x2];
	s13 =	simm.s32 $0xC400  }
0x1a: {  	[tilespmem:s13], [sflag:$0x3] =	stream.strided.gather [hbm4b:s12+s15], $0x1000, s16, s15, $0x38;
	[tilespmem:$0x16400] =	vst v63  }
0x1b: {  	s14 =	simm.s32 $0xD400;
	s13 =	rddreg [dreg:$0x6]  }
0x1c: {  	[tilespmem:s14], [sflag:$0x3] =	stream.strided.gather [hbm4b:s13+s15], $0x1000, s16, s15, $0x38;
	[tilespmem:$0x16400] =	vst v63  }
0x1d: {  	_ = 	snop  }
0x1e: {  	[tilespmem:s4], [sflag:$0x4] =	stream.linear.gather [hbm4b:s6+s4], $0x20, $0x38;
	[tilespmem:$0x16400] =	vst v63  }
0x1f: {  	_ =	swait.ge [sflag:s19], $0x20  }
0x20: {  	[sflag:s19] =	ssyncset.done $0x0  }
0x21: {  	[sflag:s19] =	ssyncadd.s32 $0xFFFFFFE0  }
0x22: {  	v5 =	vld [tilespmem:$0x0];
	_ =	sdelay $0x4  }
0x23: {  	v6 =	vshrl.u32 v5, $0x3  }
0x24: {  	v6 =	vmul.u32 $0x30, v6  }
0x25: {  	v5 =	vand.u32 $0x7, v5  }
0x26: {  	v5 =	vor.u32 v5, v6  }
0x27: {  	v6 =	vperm.xlane v5, v1;
	_ =	sdelay $0x1  }
0x28: {  	v6 =	vadd.s32 v2, v6;
	_ =	sdelay $0x3  }
0x29: {  	v5 =	vperm.xlane v5, v3  }
0x2a: {  	[tilespmem:s16], [sflag:$0x1] =	stream.indirect_vreg.gather [hbm4b:s1+s4], $0x80, v6, vm0, $0xb8;
	[tilespmem:$0x16400] =	vst v63  }
0x2b: {  	v5 =	vadd.s32 v2, v5  }
0x2c: {  	[tilespmem:s31], [sflag:$0x1] =	stream.indirect_vreg.gather [hbm4b:s7+s4], $0x80, v6, vm0, $0xb8;
	[tilespmem:$0x16400] =	vst v63  }
0x2d: {  	s14 =	simm.s32 $0x1100  }
0x2e: {  	[tilespmem:s14], [sflag:$0x1] =	stream.indirect_vreg.gather [hbm4b:s8+s4], $0x80, v6, vm0, $0xb8;
	[tilespmem:$0x16400] =	vst v63  }
0x2f: {  	s31 =	simm.s32 $0x1900  }
0x30: {  	[tilespmem:s31], [sflag:$0x1] =	stream.indirect_vreg.gather [hbm4b:s1+s4], $0x80, v5, vm0, $0xb8;
	[tilespmem:$0x16400] =	vst v63  }
0x31: {  	s13 =	simm.s32 $0x2100  }
0x32: {  	[tilespmem:s13], [sflag:$0x1] =	stream.indirect_vreg.gather [hbm4b:s7+s4], $0x80, v5, vm0, $0xb8;
	[tilespmem:$0x16400] =	vst v63  }
0x33: {  	s14 =	simm.s32 $0x2900  }
0x34: {  	[tilespmem:s14], [sflag:$0x1] =	stream.indirect_vreg.gather [hbm4b:s8+s4], $0x80, v5, vm0, $0xb8;
	[tilespmem:$0x16400] =	vst v63  }
0x35: {  	v5 =	vld [tilespmem:$0x10];
	_ =	sdelay $0x4  }
0x36: {  	v6 =	vshrl.u32 v5, $0x3  }
0x37: {  	v6 =	vmul.u32 $0x30, v6  }
0x38: {  	v5 =	vand.u32 $0x7, v5  }
0x39: {  	v5 =	vor.u32 v5, v6  }
0x3a: {  	v6 =	vperm.xlane v5, v1;
	_ =	sdelay $0x1  }
0x3b: {  	v6 =	vadd.s32 v2, v6;
	_ =	sdelay $0x3  }
0x3c: {  	s31 =	simm.s32 $0x3100;
	v5 =	vperm.xlane v5, v3  }
0x3d: {  	[tilespmem:s31], [sflag:$0x1] =	stream.indirect_vreg.gather [hbm4b:s1+s4], $0x80, v6, vm0, $0xb8;
	[tilespmem:$0x16400] =	vst v63  }
0x3e: {  	s13 =	simm.s32 $0x3900;
	v5 =	vadd.s32 v2, v5  }
0x3f: {  	[tilespmem:s13], [sflag:$0x1] =	stream.indirect_vreg.gather [hbm4b:s7+s4], $0x80, v6, vm0, $0xb8;
	[tilespmem:$0x16400] =	vst v63  }
0x40: {  	s14 =	simm.s32 $0x4100  }
0x41: {  	[tilespmem:s14], [sflag:$0x1] =	stream.indirect_vreg.gather [hbm4b:s8+s4], $0x80, v6, vm0, $0xb8;
	[tilespmem:$0x16400] =	vst v63  }
0x42: {  	s31 =	simm.s32 $0x4900  }
0x43: {  	[tilespmem:s31], [sflag:$0x1] =	stream.indirect_vreg.gather [hbm4b:s1+s4], $0x80, v5, vm0, $0xb8;
	[tilespmem:$0x16400] =	vst v63  }
0x44: {  	s13 =	simm.s32 $0x5100  }
0x45: {  	[tilespmem:s13], [sflag:$0x1] =	stream.indirect_vreg.gather [hbm4b:s7+s4], $0x80, v5, vm0, $0xb8;
	[tilespmem:$0x16400] =	vst v63  }
0x46: {  	s14 =	simm.s32 $0x5900  }
0x47: {  	[tilespmem:s14], [sflag:$0x1] =	stream.indirect_vreg.gather [hbm4b:s8+s4], $0x80, v5, vm0, $0xb8;
	[tilespmem:$0x16400] =	vst v63  }
0x48: {  	s31 =	rddreg [dreg:$0x7]  }
0x49: {  	[tilespmem:s15], [sflag:$0x4] =	stream.linear.gather [hbm4b:s31+s4], $0x20, $0x38;
	[tilespmem:$0x16400] =	vst v63  }
0x4a: {  	_ =	swait.ge [sflag:s19], $0x20  }
0x4b: {  	[sflag:s19] =	ssyncset.done $0x0  }
0x4c: {  	[sflag:s19] =	ssyncadd.s32 $0xFFFFFFE0  }
0x4d: {  	v5 =	vld [tilespmem:$0x80];
	_ =	sdelay $0x4  }
0x4e: {  	v6 =	vshrl.u32 v5, $0x3  }
0x4f: {  	v6 =	vmul.u32 $0x30, v6  }
0x50: {  	v5 =	vand.u32 $0x7, v5  }
0x51: {  	v5 =	vor.u32 v5, v6  }
0x52: {  	v6 =	vperm.xlane v5, v1;
	_ =	sdelay $0x1  }
0x53: {  	v6 =	vadd.s32 v2, v6;
	_ =	sdelay $0x3  }
0x54: {  	v5 =	vperm.xlane v5, v3  }
0x55: {  	[tilespmem:s3], [sflag:$0x2] =	stream.indirect_vreg.gather [hbm4b:s1+s4], $0x80, v6, vm0, $0xb8;
	[tilespmem:$0x16400] =	vst v63  }
0x56: {  	v5 =	vadd.s32 v2, v5  }
0x57: {  	[tilespmem:s0], [sflag:$0x2] =	stream.indirect_vreg.gather [hbm4b:s7+s4], $0x80, v6, vm0, $0xb8;
	[tilespmem:$0x16400] =	vst v63  }
0x58: {  	_ = 	snop  }
0x59: {  	[tilespmem:s2], [sflag:$0x2] =	stream.indirect_vreg.gather [hbm4b:s8+s4], $0x80, v6, vm0, $0xb8;
	[tilespmem:$0x16400] =	vst v63  }
0x5a: {  	_ = 	snop  }
0x5b: {  	[tilespmem:s17], [sflag:$0x2] =	stream.indirect_vreg.gather [hbm4b:s1+s4], $0x80, v5, vm0, $0xb8;
	[tilespmem:$0x16400] =	vst v63  }
0x5c: {  	_ = 	snop  }
0x5d: {  	[tilespmem:s18], [sflag:$0x2] =	stream.indirect_vreg.gather [hbm4b:s7+s4], $0x80, v5, vm0, $0xb8;
	[tilespmem:$0x16400] =	vst v63  }
0x5e: {  	_ = 	snop  }
0x5f: {  	[tilespmem:s20], [sflag:$0x2] =	stream.indirect_vreg.gather [hbm4b:s8+s4], $0x80, v5, vm0, $0xb8;
	[tilespmem:$0x16400] =	vst v63  }
0x60: {  	v5 =	vld [tilespmem:$0x90];
	_ =	sdelay $0x4  }
0x61: {  	v6 =	vshrl.u32 v5, $0x3  }
0x62: {  	v6 =	vmul.u32 $0x30, v6  }
0x63: {  	v5 =	vand.u32 $0x7, v5  }
0x64: {  	v5 =	vor.u32 v5, v6  }
0x65: {  	v6 =	vperm.xlane v5, v1;
	_ =	sdelay $0x1  }
0x66: {  	v6 =	vadd.s32 v2, v6;
	_ =	sdelay $0x3  }
0x67: {  	v5 =	vperm.xlane v5, v3  }
0x68: {  	[tilespmem:s5], [sflag:$0x2] =	stream.indirect_vreg.gather [hbm4b:s1+s4], $0x80, v6, vm0, $0xb8;
	[tilespmem:$0x16400] =	vst v63  }
0x69: {  	v5 =	vadd.s32 v2, v5  }
0x6a: {  	[tilespmem:s21], [sflag:$0x2] =	stream.indirect_vreg.gather [hbm4b:s7+s4], $0x80, v6, vm0, $0xb8;
	[tilespmem:$0x16400] =	vst v63  }
0x6b: {  	_ = 	snop  }
0x6c: {  	[tilespmem:s22], [sflag:$0x2] =	stream.indirect_vreg.gather [hbm4b:s8+s4], $0x80, v6, vm0, $0xb8;
	[tilespmem:$0x16400] =	vst v63  }
0x6d: {  	_ = 	snop  }
0x6e: {  	[tilespmem:s23], [sflag:$0x2] =	stream.indirect_vreg.gather [hbm4b:s1+s4], $0x80, v5, vm0, $0xb8;
	[tilespmem:$0x16400] =	vst v63  }
0x6f: {  	_ = 	snop  }
0x70: {  	[tilespmem:s24], [sflag:$0x2] =	stream.indirect_vreg.gather [hbm4b:s7+s4], $0x80, v5, vm0, $0xb8;
	[tilespmem:$0x16400] =	vst v63  }
0x71: {  	s29 =	simm.s32 $0x0;
	s30 =	simm.s32 $0x0  }
0x72: {  	[tilespmem:s25], [sflag:$0x2] =	stream.indirect_vreg.gather [hbm4b:s8+s4], $0x80, v5, vm0, $0xb8;
	[tilespmem:$0x16400] =	vst v63  }
0x73: {  	s12 =	simm.s32 $0xFFFF8000;
	s13 =	simm.s32 $0x0;
	_ =	strace $0x80000048  }
.LBB2_2:
0x74: {  	s31 =	sadd.s32 $0x8000, s12  }
0x75: {  	s14 =	sand.u32 $0x380, s13;
	s31 =	sand.u32 $0x6000, s31  }
0x76: {  	s14 =	sor.u32 s14, s31  }
0x77: {  	[tilespmem:s14+$0xE400] =	vst v4  }
0x78: {  	[tilespmem:s14+$0xE410] =	vst v4  }
0x79: {  	[tilespmem:s14+$0xE420] =	vst v4  }
0x7a: {  	[tilespmem:s14+$0xE430] =	vst v4  }
0x7b: {  	[tilespmem:s14+$0xE440] =	vst v4  }
0x7c: {  	[tilespmem:s14+$0xE450] =	vst v4  }
0x7d: {  	[tilespmem:s14+$0xE460] =	vst v4  }
0x7e: {  	[tilespmem:s14+$0xE470] =	vst v4  }
0x7f: {  	[tilespmem:s14+$0xE800] =	vst v4  }
0x80: {  	[tilespmem:s14+$0xE810] =	vst v4  }
0x81: {  	[tilespmem:s14+$0xE820] =	vst v4  }
0x82: {  	[tilespmem:s14+$0xE830] =	vst v4  }
0x83: {  	[tilespmem:s14+$0xE840] =	vst v4  }
0x84: {  	[tilespmem:s14+$0xE850] =	vst v4  }
0x85: {  	[tilespmem:s14+$0xE860] =	vst v4  }
0x86: {  	[tilespmem:s14+$0xE870] =	vst v4  }
0x87: {  	[tilespmem:s14+$0xEC00] =	vst v4  }
0x88: {  	[tilespmem:s14+$0xEC10] =	vst v4  }
0x89: {  	[tilespmem:s14+$0xEC20] =	vst v4  }
0x8a: {  	[tilespmem:s14+$0xEC30] =	vst v4  }
0x8b: {  	[tilespmem:s14+$0xEC40] =	vst v4  }
0x8c: {  	[tilespmem:s14+$0xEC50] =	vst v4  }
0x8d: {  	[tilespmem:s14+$0xEC60] =	vst v4  }
0x8e: {  	[tilespmem:s14+$0xEC70] =	vst v4  }
0x8f: {  	[tilespmem:s14+$0xF000] =	vst v4  }
0x90: {  	[tilespmem:s14+$0xF010] =	vst v4  }
0x91: {  	[tilespmem:s14+$0xF020] =	vst v4  }
0x92: {  	[tilespmem:s14+$0xF030] =	vst v4  }
0x93: {  	[tilespmem:s14+$0xF040] =	vst v4  }
0x94: {  	[tilespmem:s14+$0xF050] =	vst v4  }
0x95: {  	[tilespmem:s14+$0xF060] =	vst v4  }
0x96: {  	[tilespmem:s14+$0xF070] =	vst v4  }
0x97: {  	[tilespmem:s14+$0xF400] =	vst v4  }
0x98: {  	[tilespmem:s14+$0xF410] =	vst v4  }
0x99: {  	[tilespmem:s14+$0xF420] =	vst v4  }
0x9a: {  	[tilespmem:s14+$0xF430] =	vst v4  }
0x9b: {  	[tilespmem:s14+$0xF440] =	vst v4  }
0x9c: {  	[tilespmem:s14+$0xF450] =	vst v4  }
0x9d: {  	[tilespmem:s14+$0xF460] =	vst v4  }
0x9e: {  	[tilespmem:s14+$0xF470] =	vst v4  }
0x9f: {  	[tilespmem:s14+$0xF800] =	vst v4  }
0xa0: {  	[tilespmem:s14+$0xF810] =	vst v4  }
0xa1: {  	[tilespmem:s14+$0xF820] =	vst v4  }
0xa2: {  	[tilespmem:s14+$0xF830] =	vst v4  }
0xa3: {  	[tilespmem:s14+$0xF840] =	vst v4  }
0xa4: {  	[tilespmem:s14+$0xF850] =	vst v4  }
0xa5: {  	[tilespmem:s14+$0xF860] =	vst v4  }
0xa6: {  	[tilespmem:s14+$0xF870] =	vst v4  }
0xa7: {  	[tilespmem:s14+$0xFC00] =	vst v4  }
0xa8: {  	[tilespmem:s14+$0xFC10] =	vst v4  }
0xa9: {  	[tilespmem:s14+$0xFC20] =	vst v4  }
0xaa: {  	[tilespmem:s14+$0xFC30] =	vst v4  }
0xab: {  	s31 =	sand.u32 $0x7, s29;
	[tilespmem:s14+$0xFC40] =	vst v4  }
0xac: {  	s31 =	sshll.u32 s31, $0x7;
	[tilespmem:s14+$0xFC50] =	vst v4  }
0xad: {  	[tilespmem:s14+$0xFC60] =	vst v4;
	s31 =	sadd.s32 s31, s30  }
0xae: {  	[tilespmem:s14+$0xFC70] =	vst v4;
	s14 =	sor.u32 $0x1C00, s31  }
0xaf: {  	[tilespmem:s14+$0xE400] =	vst v4;
	s14 =	sor.u32 $0x1C10, s31  }
0xb0: {  	p0 =	sne.s32 s13, $0xF80;
	[tilespmem:s14+$0xE400] =	vst v4;
	s14 =	sor.u32 $0x1C20, s31  }
.Ltmp0:
0xb1: {  	[tilespmem:s14+$0xE400] =	vst v4;
	s14 =	sor.u32 $0x1C30, s31;
	(pc) =	sbr.rel @p0 .LBB2_2-.Ltmp0, $4  }
0xb2: {  	[tilespmem:s14+$0xE400] =	vst v4;
	s14 =	sor.u32 $0x1C40, s31  }
0xb3: {  	[tilespmem:s14+$0xE400] =	vst v4;
	s14 =	sor.u32 $0x1C50, s31  }
0xb4: {  	s12 =	sadd.s32 $0x400, s12;
	s31 =	sor.u32 $0x1C60, s31;
	[tilespmem:s14+$0xE400] =	vst v4  }
0xb5: {  	s13 =	sadd.s32 $0x80, s13;
	s29 =	sadd.s32 $0x1, s29;
	s30 =	sadd.s32 $0x400, s30;
	[tilespmem:s31+$0xE400] =	vst v4  }
0xb6: {  	_ =	strace $0x90000048  }
0xb7: {  	_ =	strace $0x80000049  }
0xb8: {  	_ =	swait.ge [sflag:s9], $0x1000  }
0xb9: {  	[sflag:s9] =	ssyncset.done $0x0  }
0xba: {  	[sflag:s9] =	ssyncadd.s32 $0xFFFFF000  }
0xbb: {  	_ =	swait.ge [sflag:s9], $0x1000  }
0xbc: {  	[sflag:s9] =	ssyncset.done $0x0  }
0xbd: {  	[sflag:s9] =	ssyncadd.s32 $0xFFFFF000  }
0xbe: {  	_ =	strace $0x90000049  }
0xbf: {  	s13 =	simm.s32 $0x0;
	_ =	strace $0x8000004A  }
0xc0: {  	s12 =	simm.s32 $0x40;
	v5 =	vld [tilespmem:s13+$0xD400]  }
.LBB2_4:
0xc1: {  	p0 =	sne.s32 s12, $0x1F00;
	v6 =	vld [tilespmem:s13+$0xC400];
	_ =	sdelay $0x4  }
0xc2: {  	v8 =	vshll.u32 v5, $0x3;
	v7 =	vshll.u32 v6, $0xA  }
0xc3: {  	v8 =	vand.u32 $0xFFFFFC00, v8;
	v9 =	vshll.u32 v6, $0x7;
	v7 =	vand.u32 $0x6000, v7  }
0xc4: {  	v7 =	vadd.s32 v7, v8;
	v8 =	vand.u32 $0x380, v9  }
0xc5: {  	v5 =	vand.u32 $0x7F, v5;
	v7 =	vor.u32 v8, v7  }
0xc6: {  	v5 =	vor.u32 v5, v7;
	_ =	sdelay $0x1  }
.Ltmp1:
0xc7: {  	v6 =	vshrl.u32 v6, $0x5;
	(pc) =	sbr.rel @p0 .LBB2_4-.Ltmp1, $4  }
0xc8: {  	vm1 =	veq.s32 v6, v0  }
0xc9: {  	v6 =	vsel vm1, $0x3F800000, v4  }
0xca: {  	s13 =	sshra.s32 s12, $0x2;
	[tilespmem:v5+s26+$0x0] =	vst.idx.add.f32.msk $0xffff, v6  }
0xcb: {  	s12 =	sadd.s32 $0x40, s12;
	v5 =	vld [tilespmem:s13+$0xD400]  }
0xcc: {  	v6 =	vld [tilespmem:s13+$0xC400];
	_ =	sdelay $0x4  }
0xcd: {  	v8 =	vshll.u32 v5, $0x3;
	v7 =	vshll.u32 v6, $0xA  }
0xce: {  	v8 =	vand.u32 $0xFFFFFC00, v8;
	v9 =	vshll.u32 v6, $0x7;
	v7 =	vand.u32 $0x6000, v7  }
0xcf: {  	v63 =	vand.u32 $0x380, v9;
	v7 =	vadd.s32 v7, v8  }
0xd0: {  	v5 =	vand.u32 $0x7F, v5;
	v7 =	vor.u32 v63, v7  }
0xd1: {  	v5 =	vor.u32 v5, v7;
	_ =	sdelay $0x1  }
0xd2: {  	v6 =	vshrl.u32 v6, $0x5  }
0xd3: {  	vm1 =	veq.s32 v6, v0  }
0xd4: {  	v6 =	vsel vm1, $0x3F800000, v4  }
0xd5: {  	[tilespmem:v5+s26+$0x0] =	vst.idx.add.f32.msk $0xffff, v6  }
0xd6: {  	_ =	strace $0x9000004A  }
0xd7: {  	_ =	strace $0x8000004B  }
0xd8: {  	_ =	swait.ge [sflag:s10], $0x6000  }
0xd9: {  	[sflag:s10] =	ssyncset.done $0x0  }
0xda: {  	[sflag:s10] =	ssyncadd.s32 $0xFFFFA000  }
0xdb: {  	_ =	strace $0x9000004B  }
0xdc: {  	s12 =	simm.s32 $0x0;
	s29 =	rddreg [dreg:$0x8]  }
0xdd: {  	[tilespmem:s12], [sflag:$0x4] =	stream.linear.gather [hbm4b:s29+s12], $0x20, $0x38;
	[tilespmem:$0x16400] =	vst v63  }
0xde: {  	_ =	swait.ge [sflag:s19], $0x20  }
0xdf: {  	[sflag:s19] =	ssyncset.done $0x0  }
0xe0: {  	[sflag:s19] =	ssyncadd.s32 $0xFFFFFFE0  }
0xe1: {  	v5 =	vld [tilespmem:$0x0];
	_ =	sdelay $0x4  }
0xe2: {  	v6 =	vshrl.u32 v5, $0x3  }
0xe3: {  	v6 =	vmul.u32 $0x30, v6  }
0xe4: {  	v5 =	vand.u32 $0x7, v5  }
0xe5: {  	v5 =	vor.u32 v5, v6  }
0xe6: {  	v6 =	vperm.xlane v5, v1;
	_ =	sdelay $0x1  }
0xe7: {  	v6 =	vadd.s32 v2, v6;
	_ =	sdelay $0x3  }
0xe8: {  	v5 =	vperm.xlane v5, v3  }
0xe9: {  	[tilespmem:s16], [sflag:$0x1] =	stream.indirect_vreg.gather [hbm4b:s1+s12], $0x80, v6, vm0, $0xb8;
	[tilespmem:$0x16400] =	vst v63  }
0xea: {  	s31 =	simm.s32 $0x900;
	v5 =	vadd.s32 v2, v5  }
0xeb: {  	[tilespmem:s31], [sflag:$0x1] =	stream.indirect_vreg.gather [hbm4b:s7+s12], $0x80, v6, vm0, $0xb8;
	[tilespmem:$0x16400] =	vst v63  }
0xec: {  	s30 =	simm.s32 $0x1100  }
0xed: {  	[tilespmem:s30], [sflag:$0x1] =	stream.indirect_vreg.gather [hbm4b:s8+s12], $0x80, v6, vm0, $0xb8;
	[tilespmem:$0x16400] =	vst v63  }
0xee: {  	s14 =	simm.s32 $0x1900  }
0xef: {  	[tilespmem:s14], [sflag:$0x1] =	stream.indirect_vreg.gather [hbm4b:s1+s12], $0x80, v5, vm0, $0xb8;
	[tilespmem:$0x16400] =	vst v63  }
0xf0: {  	s29 =	simm.s32 $0x2100  }
0xf1: {  	[tilespmem:s29], [sflag:$0x1] =	stream.indirect_vreg.gather [hbm4b:s7+s12], $0x80, v5, vm0, $0xb8;
	[tilespmem:$0x16400] =	vst v63  }
0xf2: {  	s30 =	simm.s32 $0x2900  }
0xf3: {  	[tilespmem:s30], [sflag:$0x1] =	stream.indirect_vreg.gather [hbm4b:s8+s12], $0x80, v5, vm0, $0xb8;
	[tilespmem:$0x16400] =	vst v63  }
0xf4: {  	v5 =	vld [tilespmem:$0x10];
	_ =	sdelay $0x4  }
0xf5: {  	v6 =	vshrl.u32 v5, $0x3  }
0xf6: {  	v6 =	vmul.u32 $0x30, v6  }
0xf7: {  	v5 =	vand.u32 $0x7, v5  }
0xf8: {  	v5 =	vor.u32 v5, v6  }
0xf9: {  	v6 =	vperm.xlane v5, v1;
	_ =	sdelay $0x1  }
0xfa: {  	v6 =	vadd.s32 v2, v6;
	_ =	sdelay $0x3  }
0xfb: {  	s14 =	simm.s32 $0x3100;
	v5 =	vperm.xlane v5, v3  }
0xfc: {  	[tilespmem:s14], [sflag:$0x1] =	stream.indirect_vreg.gather [hbm4b:s1+s12], $0x80, v6, vm0, $0xb8;
	[tilespmem:$0x16400] =	vst v63  }
0xfd: {  	s29 =	simm.s32 $0x3900;
	v5 =	vadd.s32 v2, v5  }
0xfe: {  	[tilespmem:s29], [sflag:$0x1] =	stream.indirect_vreg.gather [hbm4b:s7+s12], $0x80, v6, vm0, $0xb8;
	[tilespmem:$0x16400] =	vst v63  }
0xff: {  	s30 =	simm.s32 $0x4100  }
0x100: {  	[tilespmem:s30], [sflag:$0x1] =	stream.indirect_vreg.gather [hbm4b:s8+s12], $0x80, v6, vm0, $0xb8;
	[tilespmem:$0x16400] =	vst v63  }
0x101: {  	s14 =	simm.s32 $0x4900  }
0x102: {  	[tilespmem:s14], [sflag:$0x1] =	stream.indirect_vreg.gather [hbm4b:s1+s12], $0x80, v5, vm0, $0xb8;
	[tilespmem:$0x16400] =	vst v63  }
0x103: {  	s29 =	simm.s32 $0x5100  }
0x104: {  	[tilespmem:s29], [sflag:$0x1] =	stream.indirect_vreg.gather [hbm4b:s7+s12], $0x80, v5, vm0, $0xb8;
	[tilespmem:$0x16400] =	vst v63  }
0x105: {  	s30 =	simm.s32 $0x5900  }
0x106: {  	[tilespmem:s30], [sflag:$0x1] =	stream.indirect_vreg.gather [hbm4b:s8+s12], $0x80, v5, vm0, $0xb8;
	[tilespmem:$0x16400] =	vst v63  }
0x107: {  	s13 =	simm.s32 $0x0;
	_ =	strace $0x8000004C  }
0x108: {  	s12 =	simm.s32 $0x40;
	v5 =	vld [tilespmem:s13+$0xDBD0]  }
.LBB2_6:
0x109: {  	p0 =	sne.s32 s12, $0x1F00;
	v6 =	vld [tilespmem:s13+$0xCBD0];
	_ =	sdelay $0x4  }
0x10a: {  	v8 =	vshll.u32 v5, $0x3;
	v7 =	vshll.u32 v6, $0xA  }
0x10b: {  	v8 =	vand.u32 $0xFFFFFC00, v8;
	v9 =	vshll.u32 v6, $0x7;
	v7 =	vand.u32 $0x6000, v7  }
0x10c: {  	v7 =	vadd.s32 v7, v8;
	v8 =	vand.u32 $0x380, v9  }
0x10d: {  	v5 =	vand.u32 $0x7F, v5;
	v7 =	vor.u32 v8, v7  }
0x10e: {  	v5 =	vor.u32 v5, v7;
	_ =	sdelay $0x1  }
.Ltmp2:
0x10f: {  	v6 =	vshrl.u32 v6, $0x5;
	(pc) =	sbr.rel @p0 .LBB2_6-.Ltmp2, $4  }
0x110: {  	vm1 =	veq.s32 v6, v0  }
0x111: {  	v6 =	vsel vm1, $0x3F800000, v4  }
0x112: {  	s13 =	sshra.s32 s12, $0x2;
	[tilespmem:v5+s26+$0x0] =	vst.idx.add.f32.msk $0xffff, v6  }
0x113: {  	s12 =	sadd.s32 $0x40, s12;
	v5 =	vld [tilespmem:s13+$0xDBD0]  }
0x114: {  	v6 =	vld [tilespmem:s13+$0xCBD0];
	_ =	sdelay $0x4  }
0x115: {  	v8 =	vshll.u32 v5, $0x3;
	v7 =	vshll.u32 v6, $0xA  }
0x116: {  	v8 =	vand.u32 $0xFFFFFC00, v8;
	v9 =	vshll.u32 v6, $0x7;
	v7 =	vand.u32 $0x6000, v7  }
0x117: {  	v7 =	vadd.s32 v7, v8;
	v8 =	vand.u32 $0x380, v9  }
0x118: {  	v5 =	vand.u32 $0x7F, v5;
	v7 =	vor.u32 v8, v7  }
0x119: {  	v5 =	vor.u32 v5, v7;
	_ =	sdelay $0x1  }
0x11a: {  	v6 =	vshrl.u32 v6, $0x5  }
0x11b: {  	vm1 =	veq.s32 v6, v0  }
0x11c: {  	v6 =	vsel vm1, $0x3F800000, v4  }
0x11d: {  	[tilespmem:v5+s26+$0x0] =	vst.idx.add.f32.msk $0xffff, v6  }
0x11e: {  	_ =	strace $0x9000004C  }
0x11f: {  	_ =	strace $0x8000004D  }
0x120: {  	_ =	swait.ge [sflag:s28], $0x6000  }
0x121: {  	[sflag:s28] =	ssyncset.done $0x0  }
0x122: {  	[sflag:s28] =	ssyncadd.s32 $0xFFFFA000  }
0x123: {  	_ =	strace $0x9000004D  }
0x124: {  	s29 =	simm.s32 $0x0;
	s12 =	rddreg [dreg:$0x9]  }
0x125: {  	[tilespmem:s15], [sflag:$0x4] =	stream.linear.gather [hbm4b:s12+s29], $0x20, $0x38;
	[tilespmem:$0x16400] =	vst v63  }
0x126: {  	_ =	swait.ge [sflag:s19], $0x20  }
0x127: {  	[sflag:s19] =	ssyncset.done $0x0  }
0x128: {  	[sflag:s19] =	ssyncadd.s32 $0xFFFFFFE0  }
0x129: {  	v5 =	vld [tilespmem:$0x80];
	_ =	sdelay $0x4  }
0x12a: {  	v6 =	vshrl.u32 v5, $0x3  }
0x12b: {  	v6 =	vmul.u32 $0x30, v6  }
0x12c: {  	v5 =	vand.u32 $0x7, v5  }
0x12d: {  	v5 =	vor.u32 v5, v6  }
0x12e: {  	v6 =	vperm.xlane v5, v1;
	_ =	sdelay $0x1  }
0x12f: {  	v6 =	vadd.s32 v2, v6;
	_ =	sdelay $0x3  }
0x130: {  	v5 =	vperm.xlane v5, v3  }
0x131: {  	[tilespmem:s3], [sflag:$0x2] =	stream.indirect_vreg.gather [hbm4b:s1+s29], $0x80, v6, vm0, $0xb8;
	[tilespmem:$0x16400] =	vst v63  }
0x132: {  	v5 =	vadd.s32 v2, v5  }
0x133: {  	[tilespmem:s0], [sflag:$0x2] =	stream.indirect_vreg.gather [hbm4b:s7+s29], $0x80, v6, vm0, $0xb8;
	[tilespmem:$0x16400] =	vst v63  }
0x134: {  	_ = 	snop  }
0x135: {  	[tilespmem:s2], [sflag:$0x2] =	stream.indirect_vreg.gather [hbm4b:s8+s29], $0x80, v6, vm0, $0xb8;
	[tilespmem:$0x16400] =	vst v63  }
0x136: {  	_ = 	snop  }
0x137: {  	[tilespmem:s17], [sflag:$0x2] =	stream.indirect_vreg.gather [hbm4b:s1+s29], $0x80, v5, vm0, $0xb8;
	[tilespmem:$0x16400] =	vst v63  }
0x138: {  	_ = 	snop  }
0x139: {  	[tilespmem:s18], [sflag:$0x2] =	stream.indirect_vreg.gather [hbm4b:s7+s29], $0x80, v5, vm0, $0xb8;
	[tilespmem:$0x16400] =	vst v63  }
0x13a: {  	_ = 	snop  }
0x13b: {  	[tilespmem:s20], [sflag:$0x2] =	stream.indirect_vreg.gather [hbm4b:s8+s29], $0x80, v5, vm0, $0xb8;
	[tilespmem:$0x16400] =	vst v63  }
0x13c: {  	v5 =	vld [tilespmem:$0x90];
	_ =	sdelay $0x4  }
0x13d: {  	v6 =	vshrl.u32 v5, $0x3  }
0x13e: {  	v6 =	vmul.u32 $0x30, v6  }
0x13f: {  	v5 =	vand.u32 $0x7, v5  }
0x140: {  	v5 =	vor.u32 v5, v6  }
0x141: {  	v6 =	vperm.xlane v5, v1;
	_ =	sdelay $0x1  }
0x142: {  	v6 =	vadd.s32 v2, v6;
	_ =	sdelay $0x3  }
0x143: {  	v5 =	vperm.xlane v5, v3  }
0x144: {  	[tilespmem:s5], [sflag:$0x2] =	stream.indirect_vreg.gather [hbm4b:s1+s29], $0x80, v6, vm0, $0xb8;
	[tilespmem:$0x16400] =	vst v63  }
0x145: {  	v5 =	vadd.s32 v2, v5  }
0x146: {  	[tilespmem:s21], [sflag:$0x2] =	stream.indirect_vreg.gather [hbm4b:s7+s29], $0x80, v6, vm0, $0xb8;
	[tilespmem:$0x16400] =	vst v63  }
0x147: {  	_ = 	snop  }
0x148: {  	[tilespmem:s22], [sflag:$0x2] =	stream.indirect_vreg.gather [hbm4b:s8+s29], $0x80, v6, vm0, $0xb8;
	[tilespmem:$0x16400] =	vst v63  }
0x149: {  	_ = 	snop  }
0x14a: {  	[tilespmem:s23], [sflag:$0x2] =	stream.indirect_vreg.gather [hbm4b:s1+s29], $0x80, v5, vm0, $0xb8;
	[tilespmem:$0x16400] =	vst v63  }
0x14b: {  	_ = 	snop  }
0x14c: {  	[tilespmem:s24], [sflag:$0x2] =	stream.indirect_vreg.gather [hbm4b:s7+s29], $0x80, v5, vm0, $0xb8;
	[tilespmem:$0x16400] =	vst v63  }
0x14d: {  	_ = 	snop  }
0x14e: {  	[tilespmem:s25], [sflag:$0x2] =	stream.indirect_vreg.gather [hbm4b:s8+s29], $0x80, v5, vm0, $0xb8;
	[tilespmem:$0x16400] =	vst v63  }
0x14f: {  	s14 =	rddreg [dreg:$0xa]  }
0x150: {  	[hbm4b:s14+s29] =	stream.linear.scatter [tilespmem:s26], [sflag:$0x3], $0x8000, $0x38;
	[tilespmem:$0x16400] =	vst v63  }
0x151: {  	_ =	strace $0x8000004E  }
0x152: {  	_ =	swait.ge [sflag:s10], $0x6000  }
0x153: {  	[sflag:s10] =	ssyncset.done $0x0  }
0x154: {  	[sflag:s10] =	ssyncadd.s32 $0xFFFFA000  }
0x155: {  	_ =	swait.ge [sflag:s28], $0x6000  }
0x156: {  	s13 =	simm.s32 $0x0;
	[sflag:s28] =	ssyncset.done $0x0  }
0x157: {  	s12 =	smul.u32 $0x1800, s13;
	[sflag:s28] =	ssyncadd.s32 $0xFFFFA000  }
0x158: {  	s14 =	sand.u32 $0x380, s29;
	_ =	strace $0x9000004E  }
0x159: {  	s12 =	sor.u32 s14, s12;
	_ =	strace $0x8000004F  }
0x15a: {  	v9 =	vld [tilespmem:s12+$0x6100]  }
0x15b: {  	v11 =	vld [tilespmem:s12+$0x6110]  }
0x15c: {  	v13 =	vld [tilespmem:s12+$0x6120]  }
0x15d: {  	v14 =	vld [tilespmem:s12+$0x6130]  }
0x15e: {  	v27 =	vld [tilespmem:s12+$0x6140]  }
0x15f: {  	v28 =	vld [tilespmem:s12+$0x6150]  }
0x160: {  	v26 =	vld [tilespmem:s12+$0x6160]  }
0x161: {  	v24 =	vld [tilespmem:s12+$0x6170]  }
0x162: {  	v12 =	vld [tilespmem:s12+$0x6500]  }
0x163: {  	v10 =	vld [tilespmem:s12+$0x6510]  }
0x164: {  	v7 =	vld [tilespmem:s12+$0x6520]  }
0x165: {  	v6 =	vld [tilespmem:s12+$0x100]  }
0x166: {  	v16 =	vld [tilespmem:s12+$0x110]  }
0x167: {  	v17 =	vld [tilespmem:s12+$0x120]  }
0x168: {  	v18 =	vld [tilespmem:s12+$0x130]  }
0x169: {  	v19 =	vld [tilespmem:s12+$0x140]  }
0x16a: {  	v22 =	vld [tilespmem:s12+$0x150]  }
0x16b: {  	v8 =	vld [tilespmem:s12+$0x6530]  }
0x16c: {  	v15 =	vimm.f32 $0.0e+00;
	v5 =	vld [tilespmem:s12+$0x6540]  }
0x16d: {  	v33 =	vld [tilespmem:s12+$0x160];
	v20 =	vadd.f32 v6, v15;
	v16 =	vadd.f32 v16, v15  }
0x16e: {  	v34 =	vld [tilespmem:s12+$0x170];
	v17 =	vadd.f32 v17, v15;
	v18 =	vadd.f32 v18, v15  }
0x16f: {  	v25 =	vimm.f32 $0.0e+00;
	v29 =	vld [tilespmem:s12+$0x500];
	v36 =	vadd.f32 v19, v15;
	v35 =	vadd.f32 v22, v15  }
0x170: {  	v30 =	vld [tilespmem:s12+$0x510];
	v22 =	vimm.f32 $0.0e+00;
	v23 =	vadd.f32 v9, v20;
	v21 =	vadd.f32 v11, v16  }
0x171: {  	v31 =	vld [tilespmem:s12+$0x520];
	v19 =	vimm.f32 $0.0e+00;
	v20 =	vadd.f32 v13, v17;
	v17 =	vadd.f32 v14, v18  }
0x172: {  	v32 =	vld [tilespmem:s12+$0x530];
	v18 =	vimm.f32 $0.0e+00;
	v16 =	vimm.f32 $0.0e+00;
	v14 =	vimm.f32 $0.0e+00  }
0x173: {  	s30 =	simm.s32 $0x1;
	v6 =	vld [tilespmem:s12+$0x6550];
	v13 =	vimm.f32 $0.0e+00;
	v11 =	vimm.f32 $0.0e+00;
	v9 =	vimm.f32 $0.0e+00  }
.LBB2_8:
0x174: {  	p0 =	sne.s32 s30, $0x1F;
	v15 =	vadd.f32 v33, v15;
	v25 =	vadd.f32 v34, v25;
	v33 =	vld [tilespmem:s12+$0x540]  }
0x175: {  	v36 =	vadd.f32 v27, v36;
	v35 =	vadd.f32 v28, v35;
	v27 =	vld [tilespmem:s12+$0x550]  }
0x176: {  	s13 =	sshrl.u32 s30, $0x3;
	v15 =	vadd.f32 v26, v15;
	v25 =	vadd.f32 v24, v25;
	v24 =	vld [tilespmem:s12+$0x560]  }
0x177: {  	s29 =	sadd.s32 $0x80, s29;
	s13 =	smul.u32 $0x1800, s13;
	v22 =	vadd.f32 v29, v22;
	v19 =	vadd.f32 v30, v19;
	v26 =	vld [tilespmem:s12+$0x570]  }
0x178: {  	s14 =	sand.u32 $0x380, s29;
	v18 =	vadd.f32 v31, v18;
	v16 =	vadd.f32 v32, v16;
	v28 =	vld [tilespmem:s12+$0x6560]  }
0x179: {  	v22 =	vadd.f32 v12, v22;
	v19 =	vadd.f32 v10, v19;
	v10 =	vld [tilespmem:s12+$0x6570];
	s12 =	sor.u32 s14, s13  }
0x17a: {  	v18 =	vadd.f32 v7, v18;
	v30 =	vld [tilespmem:s12+$0x6100];
	v16 =	vadd.f32 v8, v16  }
0x17b: {  	v7 =	vadd.f32 v33, v14;
	v8 =	vadd.f32 v27, v13;
	v31 =	vld [tilespmem:s12+$0x6110]  }
0x17c: {  	v11 =	vadd.f32 v24, v11;
	v32 =	vld [tilespmem:s12+$0x6120];
	v9 =	vadd.f32 v26, v9  }
0x17d: {  	v14 =	vadd.f32 v5, v7;
	v13 =	vadd.f32 v6, v8;
	v37 =	vld [tilespmem:s12+$0x6130]  }
0x17e: {  	v11 =	vadd.f32 v28, v11;
	v27 =	vld [tilespmem:s12+$0x6140];
	v9 =	vadd.f32 v10, v9  }
0x17f: {  	v28 =	vld [tilespmem:s12+$0x6150]  }
0x180: {  	v26 =	vld [tilespmem:s12+$0x6160]  }
0x181: {  	v24 =	vld [tilespmem:s12+$0x6170]  }
0x182: {  	v12 =	vld [tilespmem:s12+$0x6500]  }
0x183: {  	v10 =	vld [tilespmem:s12+$0x6510]  }
0x184: {  	v7 =	vld [tilespmem:s12+$0x6520]  }
0x185: {  	v8 =	vld [tilespmem:s12+$0x6530]  }
0x186: {  	v5 =	vld [tilespmem:s12+$0x6540]  }
0x187: {  	v6 =	vld [tilespmem:s12+$0x6550]  }
0x188: {  	v29 =	vld [tilespmem:s12+$0x100]  }
0x189: {  	v34 =	vld [tilespmem:s12+$0x110]  }
0x18a: {  	v38 =	vld [tilespmem:s12+$0x120]  }
0x18b: {  	v39 =	vld [tilespmem:s12+$0x130]  }
0x18c: {  	v40 =	vld [tilespmem:s12+$0x140]  }
0x18d: {  	v41 =	vld [tilespmem:s12+$0x150]  }
0x18e: {  	v33 =	vld [tilespmem:s12+$0x160]  }
.Ltmp3:
0x18f: {  	v23 =	vadd.f32 v29, v23;
	v21 =	vadd.f32 v34, v21;
	v34 =	vld [tilespmem:s12+$0x170];
	(pc) =	sbr.rel @p0 .LBB2_8-.Ltmp3, $4  }
0x190: {  	v20 =	vadd.f32 v38, v20;
	v17 =	vadd.f32 v39, v17;
	v29 =	vld [tilespmem:s12+$0x500]  }
0x191: {  	v23 =	vadd.f32 v30, v23;
	v21 =	vadd.f32 v31, v21;
	v30 =	vld [tilespmem:s12+$0x510]  }
0x192: {  	v20 =	vadd.f32 v32, v20;
	v17 =	vadd.f32 v37, v17;
	v31 =	vld [tilespmem:s12+$0x520]  }
0x193: {  	s30 =	sadd.s32 $0x1, s30;
	v36 =	vadd.f32 v40, v36;
	v35 =	vadd.f32 v41, v35;
	v32 =	vld [tilespmem:s12+$0x530]  }
0x194: {  	v37 =	vld [tilespmem:s12+$0x540]  }
0x195: {  	v38 =	vld [tilespmem:s12+$0x550]  }
0x196: {  	v39 =	vld [tilespmem:s12+$0x560]  }
0x197: {  	v40 =	vld [tilespmem:s12+$0x570];
	v23 =	vmul.f32 $7.812500000e-03, v23  }
0x198: {  	v41 =	vld [tilespmem:s12+$0x6560];
	v21 =	vmul.f32 $7.812500000e-03, v21  }
0x199: {  	v42 =	vld [tilespmem:s12+$0x6570];
	v15 =	vadd.f32 v33, v15;
	v20 =	vmul.f32 $7.812500000e-03, v20;
	v27 =	vadd.f32 v27, v36;
	[tilespmem:$0xC100] =	vst v23  }
0x19a: {  	v17 =	vmul.f32 $7.812500000e-03, v17;
	v23 =	vadd.f32 v34, v25;
	v25 =	vadd.f32 v28, v35;
	[tilespmem:$0xC110] =	vst v21  }
0x19b: {  	v15 =	vadd.f32 v26, v15;
	v21 =	vadd.f32 v29, v22;
	[tilespmem:$0xC120] =	vst v20;
	v20 =	vmul.f32 $7.812500000e-03, v27  }
0x19c: {  	v19 =	vadd.f32 v30, v19;
	[tilespmem:$0xC130] =	vst v17;
	v22 =	vadd.f32 v24, v23;
	v17 =	vmul.f32 $7.812500000e-03, v25  }
0x19d: {  	v18 =	vadd.f32 v31, v18;
	v12 =	vadd.f32 v12, v21;
	v15 =	vmul.f32 $7.812500000e-03, v15;
	[tilespmem:$0xC140] =	vst v20  }
0x19e: {  	v16 =	vadd.f32 v32, v16;
	v10 =	vadd.f32 v10, v19;
	[tilespmem:$0xC150] =	vst v17;
	v17 =	vmul.f32 $7.812500000e-03, v22  }
0x19f: {  	v7 =	vadd.f32 v7, v18;
	v14 =	vadd.f32 v37, v14;
	[tilespmem:$0xC160] =	vst v15;
	v12 =	vmul.f32 $7.812500000e-03, v12  }
0x1a0: {  	v13 =	vadd.f32 v38, v13;
	v8 =	vadd.f32 v8, v16;
	v10 =	vmul.f32 $7.812500000e-03, v10;
	[tilespmem:$0xC170] =	vst v17  }
0x1a1: {  	v11 =	vadd.f32 v39, v11;
	v5 =	vadd.f32 v5, v14;
	v7 =	vmul.f32 $7.812500000e-03, v7;
	[tilespmem:$0xC180] =	vst v12  }
0x1a2: {  	v9 =	vadd.f32 v40, v9;
	v6 =	vadd.f32 v6, v13;
	[tilespmem:$0xC190] =	vst v10;
	v8 =	vmul.f32 $7.812500000e-03, v8  }
0x1a3: {  	v10 =	vadd.f32 v41, v11;
	[tilespmem:$0xC1A0] =	vst v7;
	v5 =	vmul.f32 $7.812500000e-03, v5  }
0x1a4: {  	v7 =	vadd.f32 v42, v9;
	v6 =	vmul.f32 $7.812500000e-03, v6;
	[tilespmem:$0xC1B0] =	vst v8  }
0x1a5: {  	s14 =	simm.s32 $0x0;
	[tilespmem:$0xC1C0] =	vst v5;
	v5 =	vmul.f32 $7.812500000e-03, v10  }
0x1a6: {  	s29 =	simm.s32 $0x0;
	s12 =	smul.u32 $0x1800, s14;
	[tilespmem:$0xC1D0] =	vst v6;
	v6 =	vmul.f32 $7.812500000e-03, v7  }
0x1a7: {  	s13 =	sand.u32 $0x380, s29;
	[tilespmem:$0xC1E0] =	vst v5  }
0x1a8: {  	s12 =	sor.u32 s13, s12;
	[tilespmem:$0xC1F0] =	vst v6  }
0x1a9: {  	v9 =	vld [tilespmem:s12+$0x6900]  }
0x1aa: {  	v11 =	vld [tilespmem:s12+$0x6910]  }
0x1ab: {  	v13 =	vld [tilespmem:s12+$0x6920]  }
0x1ac: {  	v14 =	vld [tilespmem:s12+$0x6930]  }
0x1ad: {  	v27 =	vld [tilespmem:s12+$0x6940]  }
0x1ae: {  	v28 =	vld [tilespmem:s12+$0x6950]  }
0x1af: {  	v26 =	vld [tilespmem:s12+$0x6960]  }
0x1b0: {  	v24 =	vld [tilespmem:s12+$0x6970]  }
0x1b1: {  	v12 =	vld [tilespmem:s12+$0x6D00]  }
0x1b2: {  	v10 =	vld [tilespmem:s12+$0x6D10]  }
0x1b3: {  	v7 =	vld [tilespmem:s12+$0x6D20]  }
0x1b4: {  	v6 =	vld [tilespmem:s12+$0x900]  }
0x1b5: {  	v16 =	vld [tilespmem:s12+$0x910]  }
0x1b6: {  	v17 =	vld [tilespmem:s12+$0x920]  }
0x1b7: {  	v18 =	vld [tilespmem:s12+$0x930]  }
0x1b8: {  	v19 =	vld [tilespmem:s12+$0x940]  }
0x1b9: {  	v22 =	vld [tilespmem:s12+$0x950]  }
0x1ba: {  	v8 =	vld [tilespmem:s12+$0x6D30]  }
0x1bb: {  	v15 =	vimm.f32 $0.0e+00;
	v5 =	vld [tilespmem:s12+$0x6D40]  }
0x1bc: {  	v33 =	vld [tilespmem:s12+$0x960];
	v20 =	vadd.f32 v6, v15;
	v16 =	vadd.f32 v16, v15  }
0x1bd: {  	v34 =	vld [tilespmem:s12+$0x970];
	v17 =	vadd.f32 v17, v15;
	v18 =	vadd.f32 v18, v15  }
0x1be: {  	v25 =	vimm.f32 $0.0e+00;
	v29 =	vld [tilespmem:s12+$0xD00];
	v36 =	vadd.f32 v19, v15;
	v35 =	vadd.f32 v22, v15  }
0x1bf: {  	v30 =	vld [tilespmem:s12+$0xD10];
	v22 =	vimm.f32 $0.0e+00;
	v23 =	vadd.f32 v9, v20;
	v21 =	vadd.f32 v11, v16  }
0x1c0: {  	v31 =	vld [tilespmem:s12+$0xD20];
	v19 =	vimm.f32 $0.0e+00;
	v20 =	vadd.f32 v13, v17;
	v17 =	vadd.f32 v14, v18  }
0x1c1: {  	v32 =	vld [tilespmem:s12+$0xD30];
	v18 =	vimm.f32 $0.0e+00;
	v16 =	vimm.f32 $0.0e+00;
	v14 =	vimm.f32 $0.0e+00  }
0x1c2: {  	s30 =	simm.s32 $0x1;
	v6 =	vld [tilespmem:s12+$0x6D50];
	v13 =	vimm.f32 $0.0e+00;
	v11 =	vimm.f32 $0.0e+00;
	v9 =	vimm.f32 $0.0e+00  }
.LBB2_10:
0x1c3: {  	p0 =	sne.s32 s30, $0x1F;
	v15 =	vadd.f32 v33, v15;
	v25 =	vadd.f32 v34, v25;
	v33 =	vld [tilespmem:s12+$0xD40]  }
0x1c4: {  	v36 =	vadd.f32 v27, v36;
	v35 =	vadd.f32 v28, v35;
	v27 =	vld [tilespmem:s12+$0xD50]  }
0x1c5: {  	s13 =	sshrl.u32 s30, $0x3;
	v15 =	vadd.f32 v26, v15;
	v25 =	vadd.f32 v24, v25;
	v24 =	vld [tilespmem:s12+$0xD60]  }
0x1c6: {  	s29 =	sadd.s32 $0x80, s29;
	s13 =	smul.u32 $0x1800, s13;
	v22 =	vadd.f32 v29, v22;
	v19 =	vadd.f32 v30, v19;
	v26 =	vld [tilespmem:s12+$0xD70]  }
0x1c7: {  	s14 =	sand.u32 $0x380, s29;
	v18 =	vadd.f32 v31, v18;
	v16 =	vadd.f32 v32, v16;
	v28 =	vld [tilespmem:s12+$0x6D60]  }
0x1c8: {  	v22 =	vadd.f32 v12, v22;
	v19 =	vadd.f32 v10, v19;
	v10 =	vld [tilespmem:s12+$0x6D70];
	s12 =	sor.u32 s14, s13  }
0x1c9: {  	v18 =	vadd.f32 v7, v18;
	v30 =	vld [tilespmem:s12+$0x6900];
	v16 =	vadd.f32 v8, v16  }
0x1ca: {  	v7 =	vadd.f32 v33, v14;
	v8 =	vadd.f32 v27, v13;
	v31 =	vld [tilespmem:s12+$0x6910]  }
0x1cb: {  	v11 =	vadd.f32 v24, v11;
	v32 =	vld [tilespmem:s12+$0x6920];
	v9 =	vadd.f32 v26, v9  }
0x1cc: {  	v14 =	vadd.f32 v5, v7;
	v13 =	vadd.f32 v6, v8;
	v37 =	vld [tilespmem:s12+$0x6930]  }
0x1cd: {  	v11 =	vadd.f32 v28, v11;
	v27 =	vld [tilespmem:s12+$0x6940];
	v9 =	vadd.f32 v10, v9  }
0x1ce: {  	v28 =	vld [tilespmem:s12+$0x6950]  }
0x1cf: {  	v26 =	vld [tilespmem:s12+$0x6960]  }
0x1d0: {  	v24 =	vld [tilespmem:s12+$0x6970]  }
0x1d1: {  	v12 =	vld [tilespmem:s12+$0x6D00]  }
0x1d2: {  	v10 =	vld [tilespmem:s12+$0x6D10]  }
0x1d3: {  	v7 =	vld [tilespmem:s12+$0x6D20]  }
0x1d4: {  	v8 =	vld [tilespmem:s12+$0x6D30]  }
0x1d5: {  	v5 =	vld [tilespmem:s12+$0x6D40]  }
0x1d6: {  	v6 =	vld [tilespmem:s12+$0x6D50]  }
0x1d7: {  	v29 =	vld [tilespmem:s12+$0x900]  }
0x1d8: {  	v34 =	vld [tilespmem:s12+$0x910]  }
0x1d9: {  	v38 =	vld [tilespmem:s12+$0x920]  }
0x1da: {  	v39 =	vld [tilespmem:s12+$0x930]  }
0x1db: {  	v40 =	vld [tilespmem:s12+$0x940]  }
0x1dc: {  	v41 =	vld [tilespmem:s12+$0x950]  }
0x1dd: {  	v33 =	vld [tilespmem:s12+$0x960]  }
.Ltmp4:
0x1de: {  	v23 =	vadd.f32 v29, v23;
	v21 =	vadd.f32 v34, v21;
	v34 =	vld [tilespmem:s12+$0x970];
	(pc) =	sbr.rel @p0 .LBB2_10-.Ltmp4, $4  }
0x1df: {  	v20 =	vadd.f32 v38, v20;
	v17 =	vadd.f32 v39, v17;
	v29 =	vld [tilespmem:s12+$0xD00]  }
0x1e0: {  	v23 =	vadd.f32 v30, v23;
	v21 =	vadd.f32 v31, v21;
	v30 =	vld [tilespmem:s12+$0xD10]  }
0x1e1: {  	v20 =	vadd.f32 v32, v20;
	v17 =	vadd.f32 v37, v17;
	v31 =	vld [tilespmem:s12+$0xD20]  }
0x1e2: {  	s30 =	sadd.s32 $0x1, s30;
	v36 =	vadd.f32 v40, v36;
	v35 =	vadd.f32 v41, v35;
	v32 =	vld [tilespmem:s12+$0xD30]  }
0x1e3: {  	v37 =	vld [tilespmem:s12+$0xD40]  }
0x1e4: {  	v38 =	vld [tilespmem:s12+$0xD50]  }
0x1e5: {  	v39 =	vld [tilespmem:s12+$0xD60]  }
0x1e6: {  	v40 =	vld [tilespmem:s12+$0xD70];
	v23 =	vmul.f32 $7.812500000e-03, v23  }
0x1e7: {  	v41 =	vld [tilespmem:s12+$0x6D60];
	v21 =	vmul.f32 $7.812500000e-03, v21  }
0x1e8: {  	v42 =	vld [tilespmem:s12+$0x6D70];
	v15 =	vadd.f32 v33, v15;
	v20 =	vmul.f32 $7.812500000e-03, v20;
	v27 =	vadd.f32 v27, v36;
	[tilespmem:$0xC200] =	vst v23  }
0x1e9: {  	v17 =	vmul.f32 $7.812500000e-03, v17;
	v23 =	vadd.f32 v34, v25;
	v25 =	vadd.f32 v28, v35;
	[tilespmem:$0xC210] =	vst v21  }
0x1ea: {  	v15 =	vadd.f32 v26, v15;
	v21 =	vadd.f32 v29, v22;
	[tilespmem:$0xC220] =	vst v20;
	v20 =	vmul.f32 $7.812500000e-03, v27  }
0x1eb: {  	v19 =	vadd.f32 v30, v19;
	[tilespmem:$0xC230] =	vst v17;
	v22 =	vadd.f32 v24, v23;
	v17 =	vmul.f32 $7.812500000e-03, v25  }
0x1ec: {  	v18 =	vadd.f32 v31, v18;
	v12 =	vadd.f32 v12, v21;
	v15 =	vmul.f32 $7.812500000e-03, v15;
	[tilespmem:$0xC240] =	vst v20  }
0x1ed: {  	v16 =	vadd.f32 v32, v16;
	v10 =	vadd.f32 v10, v19;
	[tilespmem:$0xC250] =	vst v17;
	v17 =	vmul.f32 $7.812500000e-03, v22  }
0x1ee: {  	v7 =	vadd.f32 v7, v18;
	v14 =	vadd.f32 v37, v14;
	[tilespmem:$0xC260] =	vst v15;
	v12 =	vmul.f32 $7.812500000e-03, v12  }
0x1ef: {  	v13 =	vadd.f32 v38, v13;
	v8 =	vadd.f32 v8, v16;
	v10 =	vmul.f32 $7.812500000e-03, v10;
	[tilespmem:$0xC270] =	vst v17  }
0x1f0: {  	v11 =	vadd.f32 v39, v11;
	v5 =	vadd.f32 v5, v14;
	v7 =	vmul.f32 $7.812500000e-03, v7;
	[tilespmem:$0xC280] =	vst v12  }
0x1f1: {  	v9 =	vadd.f32 v40, v9;
	v6 =	vadd.f32 v6, v13;
	[tilespmem:$0xC290] =	vst v10;
	v8 =	vmul.f32 $7.812500000e-03, v8  }
0x1f2: {  	v10 =	vadd.f32 v41, v11;
	[tilespmem:$0xC2A0] =	vst v7;
	v5 =	vmul.f32 $7.812500000e-03, v5  }
0x1f3: {  	v7 =	vadd.f32 v42, v9;
	v6 =	vmul.f32 $7.812500000e-03, v6;
	[tilespmem:$0xC2B0] =	vst v8  }
0x1f4: {  	s14 =	simm.s32 $0x0;
	[tilespmem:$0xC2C0] =	vst v5;
	v5 =	vmul.f32 $7.812500000e-03, v10  }
0x1f5: {  	s29 =	simm.s32 $0x0;
	s12 =	smul.u32 $0x1800, s14;
	[tilespmem:$0xC2D0] =	vst v6;
	v6 =	vmul.f32 $7.812500000e-03, v7  }
0x1f6: {  	s13 =	sand.u32 $0x380, s29;
	[tilespmem:$0xC2E0] =	vst v5  }
0x1f7: {  	s12 =	sor.u32 s13, s12;
	[tilespmem:$0xC2F0] =	vst v6  }
0x1f8: {  	v9 =	vld [tilespmem:s12+$0x7100]  }
0x1f9: {  	v11 =	vld [tilespmem:s12+$0x7110]  }
0x1fa: {  	v13 =	vld [tilespmem:s12+$0x7120]  }
0x1fb: {  	v14 =	vld [tilespmem:s12+$0x7130]  }
0x1fc: {  	v27 =	vld [tilespmem:s12+$0x7140]  }
0x1fd: {  	v28 =	vld [tilespmem:s12+$0x7150]  }
0x1fe: {  	v26 =	vld [tilespmem:s12+$0x7160]  }
0x1ff: {  	v24 =	vld [tilespmem:s12+$0x7170]  }
0x200: {  	v12 =	vld [tilespmem:s12+$0x7500]  }
0x201: {  	v10 =	vld [tilespmem:s12+$0x7510]  }
0x202: {  	v7 =	vld [tilespmem:s12+$0x7520]  }
0x203: {  	v6 =	vld [tilespmem:s12+$0x1100]  }
0x204: {  	v16 =	vld [tilespmem:s12+$0x1110]  }
0x205: {  	v17 =	vld [tilespmem:s12+$0x1120]  }
0x206: {  	v18 =	vld [tilespmem:s12+$0x1130]  }
0x207: {  	v19 =	vld [tilespmem:s12+$0x1140]  }
0x208: {  	v22 =	vld [tilespmem:s12+$0x1150]  }
0x209: {  	v8 =	vld [tilespmem:s12+$0x7530]  }
0x20a: {  	v15 =	vimm.f32 $0.0e+00;
	v5 =	vld [tilespmem:s12+$0x7540]  }
0x20b: {  	v33 =	vld [tilespmem:s12+$0x1160];
	v20 =	vadd.f32 v6, v15;
	v16 =	vadd.f32 v16, v15  }
0x20c: {  	v34 =	vld [tilespmem:s12+$0x1170];
	v17 =	vadd.f32 v17, v15;
	v18 =	vadd.f32 v18, v15  }
0x20d: {  	v25 =	vimm.f32 $0.0e+00;
	v29 =	vld [tilespmem:s12+$0x1500];
	v36 =	vadd.f32 v19, v15;
	v35 =	vadd.f32 v22, v15  }
0x20e: {  	v30 =	vld [tilespmem:s12+$0x1510];
	v22 =	vimm.f32 $0.0e+00;
	v23 =	vadd.f32 v9, v20;
	v21 =	vadd.f32 v11, v16  }
0x20f: {  	v31 =	vld [tilespmem:s12+$0x1520];
	v19 =	vimm.f32 $0.0e+00;
	v20 =	vadd.f32 v13, v17;
	v17 =	vadd.f32 v14, v18  }
0x210: {  	v32 =	vld [tilespmem:s12+$0x1530];
	v18 =	vimm.f32 $0.0e+00;
	v16 =	vimm.f32 $0.0e+00;
	v14 =	vimm.f32 $0.0e+00  }
0x211: {  	s30 =	simm.s32 $0x1;
	v6 =	vld [tilespmem:s12+$0x7550];
	v13 =	vimm.f32 $0.0e+00;
	v11 =	vimm.f32 $0.0e+00;
	v9 =	vimm.f32 $0.0e+00  }
.LBB2_12:
0x212: {  	p0 =	sne.s32 s30, $0x1F;
	v15 =	vadd.f32 v33, v15;
	v25 =	vadd.f32 v34, v25;
	v33 =	vld [tilespmem:s12+$0x1540]  }
0x213: {  	v36 =	vadd.f32 v27, v36;
	v35 =	vadd.f32 v28, v35;
	v27 =	vld [tilespmem:s12+$0x1550]  }
0x214: {  	s13 =	sshrl.u32 s30, $0x3;
	v15 =	vadd.f32 v26, v15;
	v25 =	vadd.f32 v24, v25;
	v24 =	vld [tilespmem:s12+$0x1560]  }
0x215: {  	s29 =	sadd.s32 $0x80, s29;
	s13 =	smul.u32 $0x1800, s13;
	v22 =	vadd.f32 v29, v22;
	v19 =	vadd.f32 v30, v19;
	v26 =	vld [tilespmem:s12+$0x1570]  }
0x216: {  	s14 =	sand.u32 $0x380, s29;
	v18 =	vadd.f32 v31, v18;
	v16 =	vadd.f32 v32, v16;
	v28 =	vld [tilespmem:s12+$0x7560]  }
0x217: {  	v22 =	vadd.f32 v12, v22;
	v19 =	vadd.f32 v10, v19;
	v10 =	vld [tilespmem:s12+$0x7570];
	s12 =	sor.u32 s14, s13  }
0x218: {  	v18 =	vadd.f32 v7, v18;
	v30 =	vld [tilespmem:s12+$0x7100];
	v16 =	vadd.f32 v8, v16  }
0x219: {  	v7 =	vadd.f32 v33, v14;
	v8 =	vadd.f32 v27, v13;
	v31 =	vld [tilespmem:s12+$0x7110]  }
0x21a: {  	v11 =	vadd.f32 v24, v11;
	v32 =	vld [tilespmem:s12+$0x7120];
	v9 =	vadd.f32 v26, v9  }
0x21b: {  	v14 =	vadd.f32 v5, v7;
	v13 =	vadd.f32 v6, v8;
	v37 =	vld [tilespmem:s12+$0x7130]  }
0x21c: {  	v11 =	vadd.f32 v28, v11;
	v27 =	vld [tilespmem:s12+$0x7140];
	v9 =	vadd.f32 v10, v9  }
0x21d: {  	v28 =	vld [tilespmem:s12+$0x7150]  }
0x21e: {  	v26 =	vld [tilespmem:s12+$0x7160]  }
0x21f: {  	v24 =	vld [tilespmem:s12+$0x7170]  }
0x220: {  	v12 =	vld [tilespmem:s12+$0x7500]  }
0x221: {  	v10 =	vld [tilespmem:s12+$0x7510]  }
0x222: {  	v7 =	vld [tilespmem:s12+$0x7520]  }
0x223: {  	v8 =	vld [tilespmem:s12+$0x7530]  }
0x224: {  	v5 =	vld [tilespmem:s12+$0x7540]  }
0x225: {  	v6 =	vld [tilespmem:s12+$0x7550]  }
0x226: {  	v29 =	vld [tilespmem:s12+$0x1100]  }
0x227: {  	v34 =	vld [tilespmem:s12+$0x1110]  }
0x228: {  	v38 =	vld [tilespmem:s12+$0x1120]  }
0x229: {  	v39 =	vld [tilespmem:s12+$0x1130]  }
0x22a: {  	v40 =	vld [tilespmem:s12+$0x1140]  }
0x22b: {  	v41 =	vld [tilespmem:s12+$0x1150]  }
0x22c: {  	v33 =	vld [tilespmem:s12+$0x1160]  }
.Ltmp5:
0x22d: {  	v23 =	vadd.f32 v29, v23;
	v21 =	vadd.f32 v34, v21;
	v34 =	vld [tilespmem:s12+$0x1170];
	(pc) =	sbr.rel @p0 .LBB2_12-.Ltmp5, $4  }
0x22e: {  	v20 =	vadd.f32 v38, v20;
	v17 =	vadd.f32 v39, v17;
	v29 =	vld [tilespmem:s12+$0x1500]  }
0x22f: {  	v23 =	vadd.f32 v30, v23;
	v21 =	vadd.f32 v31, v21;
	v30 =	vld [tilespmem:s12+$0x1510]  }
0x230: {  	v20 =	vadd.f32 v32, v20;
	v17 =	vadd.f32 v37, v17;
	v31 =	vld [tilespmem:s12+$0x1520]  }
0x231: {  	s30 =	sadd.s32 $0x1, s30;
	v36 =	vadd.f32 v40, v36;
	v35 =	vadd.f32 v41, v35;
	v32 =	vld [tilespmem:s12+$0x1530]  }
0x232: {  	v37 =	vld [tilespmem:s12+$0x1540]  }
0x233: {  	v38 =	vld [tilespmem:s12+$0x1550]  }
0x234: {  	v39 =	vld [tilespmem:s12+$0x1560]  }
0x235: {  	v40 =	vld [tilespmem:s12+$0x1570];
	v23 =	vmul.f32 $7.812500000e-03, v23  }
0x236: {  	v41 =	vld [tilespmem:s12+$0x7560];
	v21 =	vmul.f32 $7.812500000e-03, v21  }
0x237: {  	v42 =	vld [tilespmem:s12+$0x7570];
	v15 =	vadd.f32 v33, v15;
	v20 =	vmul.f32 $7.812500000e-03, v20;
	v27 =	vadd.f32 v27, v36;
	[tilespmem:$0xC300] =	vst v23  }
0x238: {  	v56 =	vadd.f32 v34, v25;
	v17 =	vmul.f32 $7.812500000e-03, v17;
	v57 =	vadd.f32 v28, v35;
	[tilespmem:$0xC310] =	vst v21  }
0x239: {  	v58 =	vadd.f32 v29, v22;
	v15 =	vadd.f32 v26, v15;
	[tilespmem:$0xC320] =	vst v20;
	v59 =	vmul.f32 $7.812500000e-03, v27  }
0x23a: {  	v60 =	vadd.f32 v24, v56;
	v19 =	vadd.f32 v30, v19;
	[tilespmem:$0xC330] =	vst v17;
	v61 =	vmul.f32 $7.812500000e-03, v57  }
0x23b: {  	v18 =	vadd.f32 v31, v18;
	v12 =	vadd.f32 v12, v58;
	v15 =	vmul.f32 $7.812500000e-03, v15;
	[tilespmem:$0xC340] =	vst v59  }
0x23c: {  	v16 =	vadd.f32 v32, v16;
	v10 =	vadd.f32 v10, v19;
	v62 =	vmul.f32 $7.812500000e-03, v60;
	[tilespmem:$0xC350] =	vst v61  }
0x23d: {  	v7 =	vadd.f32 v7, v18;
	v14 =	vadd.f32 v37, v14;
	v12 =	vmul.f32 $7.812500000e-03, v12;
	[tilespmem:$0xC360] =	vst v15  }
0x23e: {  	v13 =	vadd.f32 v38, v13;
	v8 =	vadd.f32 v8, v16;
	[tilespmem:$0xC370] =	vst v62;
	v10 =	vmul.f32 $7.812500000e-03, v10  }
0x23f: {  	v11 =	vadd.f32 v39, v11;
	v5 =	vadd.f32 v5, v14;
	[tilespmem:$0xC380] =	vst v12;
	v7 =	vmul.f32 $7.812500000e-03, v7  }
0x240: {  	v9 =	vadd.f32 v40, v9;
	v6 =	vadd.f32 v6, v13;
	[tilespmem:$0xC390] =	vst v10;
	v8 =	vmul.f32 $7.812500000e-03, v8  }
0x241: {  	v63 =	vadd.f32 v41, v11;
	[tilespmem:$0xC3A0] =	vst v7;
	v5 =	vmul.f32 $7.812500000e-03, v5  }
0x242: {  	v7 =	vadd.f32 v42, v9;
	v6 =	vmul.f32 $7.812500000e-03, v6;
	[tilespmem:$0xC3B0] =	vst v8  }
0x243: {  	[tilespmem:$0xC3C0] =	vst v5;
	v5 =	vmul.f32 $7.812500000e-03, v63  }
0x244: {  	[tilespmem:$0xC3D0] =	vst v6;
	v6 =	vmul.f32 $7.812500000e-03, v7  }
0x245: {  	[tilespmem:$0xC3E0] =	vst v5  }
0x246: {  	[tilespmem:$0xC3F0] =	vst v6  }
0x247: {  	_ =	strace $0x9000004F  }
0x248: {  	s13 =	simm.s32 $0x400;
	s14 =	simm.s32 $0xC100;
	s29 =	rddreg [dreg:$0xb]  }
0x249: {  	[hbm4b:s29+s15] =	stream.strided.scatter [tilespmem:s14], [sflag:$0x4], $0x300, s13, s15, $0x38;
	[tilespmem:$0x16400] =	vst v63  }
0x24a: {  	_ =	swait.ge [sflag:s19], $0x300  }
0x24b: {  	[sflag:s19] =	ssyncset.done $0x0  }
0x24c: {  	[sflag:s19] =	ssyncadd.s32 $0xFFFFFD00  }
0x24d: {  	_ =	strace $0x80000050  }
0x24e: {  	_ =	swait.ge [sflag:s9], $0x8000  }
0x24f: {  	s11 =	sadd.s32 $0x1, s11;
	s30 =	rddreg [dreg:$0xc]  }
0x250: {  	p0 =	sne.s32 s11, s30  }
.Ltmp6:
0x251: {  	_ = 	snop;
	(pc) =	sbr.rel @p0 .LBB2_1-.Ltmp6, $4  }
0x252: {  	_ = 	snop  }
0x253: {  	[sflag:s9] =	ssyncset.done $0x0  }
0x254: {  	[sflag:s9] =	ssyncadd.s32 $0xFFFF8000  }
0x255: {  	_ =	strace $0x90000050  }
0x256: {  	_ =	sfence.sel $0x180000  }
0x257: {  	[bflag:$0x0] =	sbarrier.arrive $0xFFFF  }
0x258: {  	_ =	strace $0x90000047  }
0x259: {  	s0 =	stileid.u32;
	[bflag:$0x2] =	sbarrier.arrive $0xFFFF  }
0x25a: {  	p0 =	sne.s32 s0, $0x0;
	s0 =	rddreg [dreg:$0x5]  }
0x25b: {  	s0 =	sadd.s32 @!p0 $0x100000, s0  }
0x25c: {  	[sflag:s0] =	ssyncadd.tile.s32 @!p0 $0x1;
	_ =	shalt  }
.Lfunc_end2:
_tile_overlayer_lowered:
.L_overlay_start_2:
0x25d: {  	(tag) =	ssettag $0x2  }
0x25e: {  	s0 =	rddreg [dreg:$0x0];
	s2 =	stileid.u32  }
0x25f: {  	s1 =	rddreg [dreg:$0x1];
	p0 =	sne.s32 s2, $0x0  }
0x260: {  	s3 =	rddreg [dreg:$0x2];
	[bflag:$0x3] =	sbarrier.arrive $0xFFFF;
	s2 =	simm.s32 @!p0 $0x1C04  }
0x261: {  	[timem:s3], [sflag:s2] =	dma.local @!p0 [hbm:s0], s1  }
0x262: {  	s0 =	simm.s32 @!p0 $0x4  }
0x263: {  	_ =	swait.ge @!p0 [sflag:s0], s1  }
0x264: {  	s1 =	ssub.s32 @!p0 $0x0, s1;
	[sflag:s0] =	ssyncset.done @!p0 $0x0  }
0x265: {  	[sflag:s0] =	ssyncadd.s32 @!p0 s1  }
0x266: {  	[bflag:$0x3] =	sbarrier.arrive $0xFFFF  }
0x267: {  	_ =	shalt  }

</sc_bundles>
